<compile_context>
chip_gen: v7x
topology: tpu7x:2x2x1
jax: 0.10.2.dev20260603
libtpu: 0.0.44.dev20260713+nightly
codegen_flags: <defaults>
</compile_context>

<pallas_src>
import functools

import jax
import jax.numpy as jnp
from jax import lax
from jax.experimental import pallas as pl
from jax.experimental.pallas import tpu as pltpu
from jax.experimental.pallas import tpu_sc as plsc

N = 10000
E = 320000
D_N = 128
D_E = 128
D_F = 16
H = 256
D_OUT = 128

NC = 2
NS = 16
CHUNK = 128
ROWS_PER_TILE = 624
TAIL_ROWS = N - NS * ROWS_PER_TILE

NCHUNKS = E // CHUNK
CHUNK_BASE = NCHUNKS // (NC * NS)
CHUNK_EXTRA = NCHUNKS - CHUNK_BASE * NC * NS
ZROWS = 640


def _segment_sum_sc(efeat, edge_index, zeros):
    mesh = plsc.VectorSubcoreMesh(
        core_axis_name="c", subcore_axis_name="s", num_cores=NC, num_subcores=NS
    )

    @functools.partial(
        pl.kernel,
        out_type=(
            jax.ShapeDtypeStruct((NC, N, D_E), jnp.float32),
            jax.ShapeDtypeStruct((E, D_E), jnp.float32),
        ),
        mesh=mesh,
        scratch_types=[
            pltpu.VMEM_SHARED((N, D_E), jnp.float32),
            pltpu.VMEM((CHUNK, D_E), jnp.float32),
            pltpu.VMEM((CHUNK, D_E), jnp.float32),
            pltpu.VMEM((2, CHUNK), jnp.int32),
            pltpu.VMEM((2, CHUNK), jnp.int32),
            pltpu.SemaphoreType.DMA,
            pltpu.SemaphoreType.DMA,
            pltpu.SemaphoreType.DMA,
            pltpu.SemaphoreType.DMA,
            pltpu.SemaphoreType.DMA,
            pltpu.SemaphoreType.DMA,
            pltpu.SemaphoreType.DMA,
            pltpu.SemaphoreType.DMA,
        ],
    )
    def k(efeat_hbm, ei_hbm, z_hbm, out_hbm, eout_hbm, acc,
          rows0, rows1, idx0, idx1, sr0, sr1, si0, si1, sw0, sw1, ss0, ss1):
        cid = lax.axis_index("c")
        sid = lax.axis_index("s")
        w = cid * NS + sid
        r0 = sid * ROWS_PER_TILE
        pltpu.sync_copy(
            z_hbm.at[pl.ds(0, ROWS_PER_TILE)], acc.at[pl.ds(r0, ROWS_PER_TILE)]
        )

        @pl.when(sid == NS - 1)
        def _():
            pltpu.sync_copy(
                z_hbm.at[pl.ds(0, TAIL_ROWS)],
                acc.at[pl.ds(NS * ROWS_PER_TILE, TAIL_ROWS)],
            )

        nc_w = CHUNK_BASE + jnp.where(w < CHUNK_EXTRA, 1, 0)
        eb = (CHUNK_BASE * w + jnp.minimum(w, CHUNK_EXTRA)) * CHUNK

        def start(i, rows, idx, sr, si):
            b = eb + i * CHUNK
            pltpu.async_copy(efeat_hbm.at[pl.ds(b, CHUNK)], rows, sr)
            pltpu.async_copy(ei_hbm.at[pl.ds(0, 2), pl.ds(b, CHUNK)], idx, si)

        def wait(rows, idx, sr, si):
            pltpu.make_async_copy(efeat_hbm.at[pl.ds(0, CHUNK)], rows, sr).wait()
            pltpu.make_async_copy(
                ei_hbm.at[pl.ds(0, 2), pl.ds(0, CHUNK)], idx, si
            ).wait()

        def sc_start(rows, idx, ss):
            pltpu.async_copy(rows, acc.at[idx.at[1]], ss, add=True)

        def sc_wait(rows, idx, ss):
            pltpu.make_async_copy(rows, acc.at[idx.at[1]], ss).wait()

        def wb_start(i, rows, sw):
            pltpu.async_copy(rows, eout_hbm.at[pl.ds(eb + i * CHUNK, CHUNK)], sw)

        def wb_wait(rows, sw):
            pltpu.make_async_copy(rows, eout_hbm.at[pl.ds(0, CHUNK)], sw).wait()

        start(0, rows0, idx0, sr0, si0)
        plsc.subcore_barrier()

        @pl.loop(0, nc_w // 2)
        def _(j):
            i0 = 2 * j

            @pl.when(j > 0)
            def _():
                sc_wait(rows1, idx1, ss1)
                wb_wait(rows1, sw1)

            start(i0 + 1, rows1, idx1, sr1, si1)
            wait(rows0, idx0, sr0, si0)
            sc_start(rows0, idx0, ss0)
            wb_start(i0, rows0, sw0)
            wait(rows1, idx1, sr1, si1)
            sc_start(rows1, idx1, ss1)
            wb_start(i0 + 1, rows1, sw1)
            sc_wait(rows0, idx0, ss0)
            wb_wait(rows0, sw0)

            @pl.when(i0 + 2 < nc_w)
            def _():
                start(i0 + 2, rows0, idx0, sr0, si0)

        sc_wait(rows1, idx1, ss1)
        wb_wait(rows1, sw1)

        @pl.when(nc_w % 2 == 1)
        def _():
            wait(rows0, idx0, sr0, si0)
            sc_start(rows0, idx0, ss0)
            wb_start(nc_w - 1, rows0, sw0)
            sc_wait(rows0, idx0, ss0)
            wb_wait(rows0, sw0)

        plsc.subcore_barrier()
        pltpu.sync_copy(
            acc.at[pl.ds(r0, ROWS_PER_TILE)],
            out_hbm.at[cid, pl.ds(r0, ROWS_PER_TILE)],
        )

        @pl.when(sid == NS - 1)
        def _():
            pltpu.sync_copy(
                acc.at[pl.ds(NS * ROWS_PER_TILE, TAIL_ROWS)],
                out_hbm.at[cid, pl.ds(NS * ROWS_PER_TILE, TAIL_ROWS)],
            )

    return k(efeat, edge_index, zeros)


BR = 2000


def _ln(x, g, b, eps=1e-5):
    mu = jnp.mean(x, axis=-1, keepdims=True)
    var = jnp.mean((x - mu) ** 2, axis=-1, keepdims=True)
    return (x - mu) / jnp.sqrt(var + eps) * g + b


def _silu(x):
    return x / (1.0 + jnp.exp(-x))


def _dot3(x, wh, wl):
    xh = x.astype(jnp.bfloat16)
    xl = (x - xh.astype(jnp.float32)).astype(jnp.bfloat16)
    d = lambda a, b: jax.lax.dot_general(
        a, b, (((1,), (0,)), ((), ())), preferred_element_type=jnp.float32
    )
    return d(xh, wh) + d(xh, wl) + d(xl, wh)


def _mlp_body(nf, agg2, fl, w1nh, w1nl, w1eh, w1el, w1fh, w1fl, b1, g1, be1,
              w2h, w2l, b2, g2, be2, w3h, w3l, b3, out):
    x_n = nf[...]
    agg = agg2[0] + agg2[1]
    h = (
        _dot3(x_n, w1nh[...], w1nl[...])
        + _dot3(agg, w1eh[...], w1el[...])
        + _dot3(fl[...], w1fh[...], w1fl[...])
        + b1[...]
    )
    h = _silu(_ln(h, g1[...], be1[...]))
    h = _dot3(h, w2h[...], w2l[...]) + b2[...]
    h = _silu(_ln(h, g2[...], be2[...]))
    out[...] = _dot3(h, w3h[...], w3l[...]) + b3[...] + x_n


def _mlp_tc(nfeat, agg2, flow, w1h, w1l, b1, g1, be1, w2h, w2l, b2, g2, be2,
            w3h, w3l, b3):
    row_block = lambda d: pl.BlockSpec((BR, d), lambda i: (i, 0))
    full = lambda s: pl.BlockSpec(s, lambda i: (0, 0))
    w1_slabs = [
        pl.BlockSpec((D_N, H), lambda i: (0, 0)),
        pl.BlockSpec((D_E, H), lambda i: (1, 0)),
        pl.BlockSpec((D_F, H), lambda i: ((D_N + D_E) // D_F, 0)),
    ]
    return pl.pallas_call(
        _mlp_body,
        grid=(N // BR,),
        in_specs=[
            row_block(D_N),
            pl.BlockSpec((NC, BR, D_E), lambda i: (0, i, 0)),
            row_block(D_F),
            w1_slabs[0], w1_slabs[0],
            w1_slabs[1], w1_slabs[1],
            w1_slabs[2], w1_slabs[2],
            full((1, H)),
            full((1, H)),
            full((1, H)),
            full((H, H)), full((H, H)),
            full((1, H)),
            full((1, H)),
            full((1, H)),
            full((H, D_OUT)), full((H, D_OUT)),
            full((1, D_OUT)),
        ],
        out_specs=row_block(D_OUT),
        out_shape=jax.ShapeDtypeStruct((N, D_OUT), jnp.float32),
    )(nfeat, agg2, flow, w1h, w1l, w1h, w1l, w1h, w1l, b1, g1, be1,
      w2h, w2l, b2, g2, be2, w3h, w3l, b3)


def _split_bf16(w):
    wh = w.astype(jnp.bfloat16)
    wl = (w - wh.astype(jnp.float32)).astype(jnp.bfloat16)
    return wh, wl


def kernel(efeat, nfeat, flow_features, edge_index,
           W1, b1, g1, be1, W2, b2, g2, be2, W3, b3):
    zeros = jnp.zeros((ZROWS, D_E), jnp.float32)
    agg2, efeat_out = _segment_sum_sc(efeat, edge_index.astype(jnp.int32), zeros)
    w1h, w1l = _split_bf16(W1)
    w2h, w2l = _split_bf16(W2)
    w3h, w3l = _split_bf16(W3)
    r = lambda v: v.reshape(1, -1)
    nfeat_new = _mlp_tc(
        nfeat, agg2, flow_features,
        w1h, w1l, r(b1), r(g1), r(be1),
        w2h, w2l, r(b2), r(g2), r(be2), w3h, w3l, r(b3),
    )
    return (efeat_out, nfeat_new)

# --- scband reference (transcript-rebuilt; emitter-appended) ---
"""Pipeline reference for scband-mesh-node-block-with-context-21423296872639 (READ-ONLY COPY).

The authoritative reference and input builder live on the scoring server;
editing this copy changes nothing except your own understanding.
"""

import jax, jax.numpy as jnp
import numpy as np

N = 10000
E = 320000
D_N = 128
D_E = 128
D_F = 16
D_IN = D_N + D_E + D_F
H = 256
D_OUT = 128


def layernorm(x, g, b, eps=1e-5):
    mu = jnp.mean(x, axis=-1, keepdims=True)
    var = jnp.mean((x - mu) ** 2, axis=-1, keepdims=True)
    return (x - mu) / jnp.sqrt(var + eps) * g + b


def setup_inputs(seed: int = 0) -> dict:
    key = jax.random.key(seed)
    ks = jax.random.split(key, 12)
    efeat = jax.random.normal(ks[0], (E, D_E), dtype=jnp.float32)
    nfeat = jax.random.normal(ks[1], (N, D_N), dtype=jnp.float32)
    flow_features = jax.random.normal(ks[2], (N, D_F), dtype=jnp.float32)
    edge_index = jax.random.randint(ks[3], (2, E), 0, N, dtype=jnp.int64)
    W1 = jax.random.normal(ks[4], (D_IN, H), dtype=jnp.float32) / np.sqrt(D_IN)
    b1 = jnp.zeros((H,), dtype=jnp.float32)
    g1 = jnp.ones((H,), dtype=jnp.float32)
    be1 = jnp.zeros((H,), dtype=jnp.float32)
    W2 = jax.random.normal(ks[5], (H, H), dtype=jnp.float32) / np.sqrt(H)
    b2 = jnp.zeros((H,), dtype=jnp.float32)
    g2 = jnp.ones((H,), dtype=jnp.float32)
    be2 = jnp.zeros((H,), dtype=jnp.float32)
    W3 = jax.random.normal(ks[6], (H, D_OUT), dtype=jnp.float32) / np.sqrt(H)
    b3 = jnp.zeros((D_OUT,), dtype=jnp.float32)
    return {"efeat": efeat, "nfeat": nfeat, "flow_features": flow_features,
            "edge_index": edge_index,
            "W1": W1, "b1": b1, "g1": g1, "be1": be1,
            "W2": W2, "b2": b2, "g2": g2, "be2": be2,
            "W3": W3, "b3": b3}


def reference(efeat, nfeat, flow_features, edge_index,
              W1, b1, g1, be1, W2, b2, g2, be2, W3, b3):
    dst = edge_index[1]
    # DGL copy_e + sum: scatter-add edge features onto destination nodes
    e_agg = jax.ops.segment_sum(efeat, dst, num_segments=nfeat.shape[0])
    cat_feat = jnp.concatenate([nfeat, e_agg, flow_features], axis=-1)
    h = jax.nn.silu(layernorm(cat_feat @ W1 + b1, g1, be1))
    h = jax.nn.silu(layernorm(h @ W2 + b2, g2, be2))
    out = h @ W3 + b3
    nfeat_new = out + nfeat
    return (efeat, nfeat_new)

if __name__ == "__main__":
    import jax
    _d = setup_inputs()
    print(jax.jit(kernel)(*tuple(_d.values())))

</pallas_src>

<mosaic_0001>
#map = affine_map<(d0, d1) -> (0, 0)>
#map1 = affine_map<(d0, d1) -> (0, 0, 0)>
module attributes {stable_mosaic.version = 14 : i64} {
  func.func @k(%arg0: i32, %arg1: i32, %arg2: memref<320000x128xf32, #tpu.memory_space<hbm>>, %arg3: memref<2x320000xi32, #tpu.memory_space<hbm>>, %arg4: memref<640x128xf32, #tpu.memory_space<hbm>>, %arg5: memref<2x10000x128xf32, #tpu.memory_space<hbm>>, %arg6: memref<320000x128xf32, #tpu.memory_space<hbm>>, %arg7: memref<10000x128xf32, #tpu.memory_space<vmem_shared>>, %arg8: memref<128x128xf32, #tpu.memory_space<vmem>>, %arg9: memref<128x128xf32, #tpu.memory_space<vmem>>, %arg10: memref<2x128xi32, #tpu.memory_space<vmem>>, %arg11: memref<2x128xi32, #tpu.memory_space<vmem>>, %arg12: memref<!tpu.dma_semaphore, #tpu.memory_space<semaphore_mem>>, %arg13: memref<!tpu.dma_semaphore, #tpu.memory_space<semaphore_mem>>, %arg14: memref<!tpu.dma_semaphore, #tpu.memory_space<semaphore_mem>>, %arg15: memref<!tpu.dma_semaphore, #tpu.memory_space<semaphore_mem>>, %arg16: memref<!tpu.dma_semaphore, #tpu.memory_space<semaphore_mem>>, %arg17: memref<!tpu.dma_semaphore, #tpu.memory_space<semaphore_mem>>, %arg18: memref<!tpu.dma_semaphore, #tpu.memory_space<semaphore_mem>>, %arg19: memref<!tpu.dma_semaphore, #tpu.memory_space<semaphore_mem>>) attributes {dimension_semantics = [#tpu.dimension_semantics<core_parallel>, #tpu.dimension_semantics<subcore_parallel>], iteration_bounds = array<i64: 2, 16>, scalar_prefetch = 0 : i64, scratch_operands = 13 : i64, tpu.core_type = #tpu.core_type<sc_vector_subcore>, window_params = [{transform_indices = #map}, {transform_indices = #map}, {transform_indices = #map}, {transform_indices = #map1}, {transform_indices = #map}]} {
    %mul3A = arith.constant 16 : i32
    %mul3A_0 = arith.muli %arg0, %mul3A : i32
    %add3A = arith.addi %mul3A_0, %arg1 : i32
    %mul3A_1 = arith.constant 624 : i32
    %mul3A_2 = arith.muli %arg1, %mul3A_1 : i32
    "tpu.region"() ({
      %run_scoped3A = tpu.sem_alloc : memref<!tpu.dma_semaphore, #tpu.memory_space<semaphore_mem>>
      %dma_start3A_99 = arith.constant 0 : i32
      %dma_start3A_100 = tpu.memref_slice %arg7[%mul3A_2, %dma_start3A_99] : memref<10000x128xf32, #tpu.memory_space<vmem_shared>> -> memref<624x128xf32, #tpu.memory_space<vmem_shared>>
      %dma_start3A_101 = arith.constant 0 : i32
      %dma_start3A_102 = arith.constant 0 : i32
      %dma_start3A_103 = tpu.memref_slice %arg4[%dma_start3A_101, %dma_start3A_102] : memref<640x128xf32, #tpu.memory_space<hbm>> -> memref<624x128xf32, #tpu.memory_space<hbm>>
      tpu.enqueue_dma source(%dma_start3A_103 : memref<624x128xf32, #tpu.memory_space<hbm>>) target(%dma_start3A_100 : memref<624x128xf32, #tpu.memory_space<vmem_shared>>) target_semaphore(%run_scoped3A : memref<!tpu.dma_semaphore, #tpu.memory_space<semaphore_mem>>)
      %dma_wait3A_104 = arith.constant 0 : i32
      %dma_wait3A_105 = tpu.memref_slice %arg7[%mul3A_2, %dma_wait3A_104] : memref<10000x128xf32, #tpu.memory_space<vmem_shared>> -> memref<624x128xf32, #tpu.memory_space<vmem_shared>>
      %dma_wait3A_106 = arith.constant 0 : i32
      %dma_wait3A_107 = arith.constant 0 : i32
      %dma_wait3A_108 = tpu.memref_slice %arg4[%dma_wait3A_106, %dma_wait3A_107] : memref<640x128xf32, #tpu.memory_space<hbm>> -> memref<624x128xf32, #tpu.memory_space<hbm>>
      tpu.wait_dma2 semaphore(%run_scoped3A : memref<!tpu.dma_semaphore, #tpu.memory_space<semaphore_mem>>) src(%dma_wait3A_108 : memref<624x128xf32, #tpu.memory_space<hbm>>) dst(%dma_wait3A_105 : memref<624x128xf32, #tpu.memory_space<vmem_shared>>)
      tpu.yield
    }) : () -> ()
    %eq3A = arith.constant 15 : i32
    %eq3A_3 = arith.cmpi eq, %arg1, %eq3A : i32
    %convert_element_type3A = arith.extui %eq3A_3 : i1 to i32
    %cond3A = arith.constant 0 : i32
    %cond3A_4 = arith.cmpi ne, %convert_element_type3A, %cond3A : i32
    scf.if %cond3A_4 {
      "tpu.region"() ({
        %run_scoped3A = tpu.sem_alloc : memref<!tpu.dma_semaphore, #tpu.memory_space<semaphore_mem>>
        %dma_start3A_99 = arith.constant 9984 : i32
        %dma_start3A_100 = arith.constant 0 : i32
        %dma_start3A_101 = tpu.memref_slice %arg7[%dma_start3A_99, %dma_start3A_100] : memref<10000x128xf32, #tpu.memory_space<vmem_shared>> -> memref<16x128xf32, #tpu.memory_space<vmem_shared>>
        %dma_start3A_102 = arith.constant 0 : i32
        %dma_start3A_103 = arith.constant 0 : i32
        %dma_start3A_104 = tpu.memref_slice %arg4[%dma_start3A_102, %dma_start3A_103] : memref<640x128xf32, #tpu.memory_space<hbm>> -> memref<16x128xf32, #tpu.memory_space<hbm>>
        tpu.enqueue_dma source(%dma_start3A_104 : memref<16x128xf32, #tpu.memory_space<hbm>>) target(%dma_start3A_101 : memref<16x128xf32, #tpu.memory_space<vmem_shared>>) target_semaphore(%run_scoped3A : memref<!tpu.dma_semaphore, #tpu.memory_space<semaphore_mem>>)
        %dma_wait3A_105 = arith.constant 9984 : i32
        %dma_wait3A_106 = arith.constant 0 : i32
        %dma_wait3A_107 = tpu.memref_slice %arg7[%dma_wait3A_105, %dma_wait3A_106] : memref<10000x128xf32, #tpu.memory_space<vmem_shared>> -> memref<16x128xf32, #tpu.memory_space<vmem_shared>>
        %dma_wait3A_108 = arith.constant 0 : i32
        %dma_wait3A_109 = arith.constant 0 : i32
        %dma_wait3A_110 = tpu.memref_slice %arg4[%dma_wait3A_108, %dma_wait3A_109] : memref<640x128xf32, #tpu.memory_space<hbm>> -> memref<16x128xf32, #tpu.memory_space<hbm>>
        tpu.wait_dma2 semaphore(%run_scoped3A : memref<!tpu.dma_semaphore, #tpu.memory_space<semaphore_mem>>) src(%dma_wait3A_110 : memref<16x128xf32, #tpu.memory_space<hbm>>) dst(%dma_wait3A_107 : memref<16x128xf32, #tpu.memory_space<vmem_shared>>)
        tpu.yield
      }) : () -> ()
    } else {
    }
    %lt3A = arith.constant 4 : i32
    %lt3A_5 = arith.cmpi slt, %add3A, %lt3A : i32
    %jit3A = arith.constant 1 : i32
    %jit3A_6 = arith.constant 0 : i32
    %select_n3A = arith.select %lt3A_5, %jit3A, %jit3A_6 : i32
    %add3A_7 = arith.constant 78 : i32
    %add3A_8 = arith.addi %add3A_7, %select_n3A : i32
    %mul3A_9 = arith.constant 78 : i32
    %mul3A_10 = arith.muli %mul3A_9, %add3A : i32
    %min3A = arith.constant 4 : i32
    %min3A_11 = arith.minsi %add3A, %min3A : i32
    %add3A_12 = arith.addi %mul3A_10, %min3A_11 : i32
    %mul3A_13 = arith.constant 128 : i32
    %mul3A_14 = arith.muli %add3A_12, %mul3A_13 : i32
    %add3A_15 = arith.constant 0 : i32
    %add3A_16 = arith.addi %mul3A_14, %add3A_15 : i32
    %dma_start3A = arith.constant 0 : i32
    %dma_start3A_17 = tpu.memref_slice %arg2[%add3A_16, %dma_start3A] : memref<320000x128xf32, #tpu.memory_space<hbm>> -> memref<128x128xf32, #tpu.memory_space<hbm>>
    %dma_start3A_18 = arith.constant 0 : i32
    %dma_start3A_19 = tpu.memref_slice %arg2[%add3A_16, %dma_start3A_18] : memref<320000x128xf32, #tpu.memory_space<hbm>> -> memref<128x128xf32, #tpu.memory_space<hbm>>
    tpu.enqueue_dma source(%dma_start3A_19 : memref<128x128xf32, #tpu.memory_space<hbm>>) target(%arg8 : memref<128x128xf32, #tpu.memory_space<vmem>>) target_semaphore(%arg12 : memref<!tpu.dma_semaphore, #tpu.memory_space<semaphore_mem>>)
    %dma_start3A_20 = arith.constant 0 : i32
    %dma_start3A_21 = tpu.memref_slice %arg3[%dma_start3A_20, %add3A_16] : memref<2x320000xi32, #tpu.memory_space<hbm>> -> memref<2x128xi32, #tpu.memory_space<hbm>>
    %dma_start3A_22 = arith.constant 0 : i32
    %dma_start3A_23 = tpu.memref_slice %arg3[%dma_start3A_22, %add3A_16] : memref<2x320000xi32, #tpu.memory_space<hbm>> -> memref<2x128xi32, #tpu.memory_space<hbm>>
    tpu.enqueue_dma source(%dma_start3A_23 : memref<2x128xi32, #tpu.memory_space<hbm>>) target(%arg10 : memref<2x128xi32, #tpu.memory_space<vmem>>) target_semaphore(%arg14 : memref<!tpu.dma_semaphore, #tpu.memory_space<semaphore_mem>>)
    %barrier3A = arith.constant 0 : index
    tpu.barrier barrier_id(%barrier3A)
    %jit3A_24 = arith.constant 2 : i32
    %div3A = arith.divsi %add3A_8, %jit3A_24 : i32
    %sign3A = arith.constant 0 : i32
    %sign3A_25 = arith.cmpi sgt, %add3A_8, %sign3A : i32
    %sign3A_26 = arith.extui %sign3A_25 : i1 to i32
    %sign3A_27 = arith.constant 0 : i32
    %sign3A_28 = arith.cmpi slt, %add3A_8, %sign3A_27 : i32
    %sign3A_29 = arith.extui %sign3A_28 : i1 to i32
    %sign3A_30 = arith.subi %sign3A_26, %sign3A_29 : i32
    %sign3A_31 = arith.constant 0 : i32
    %sign3A_32 = arith.cmpi sgt, %jit3A_24, %sign3A_31 : i32
    %sign3A_33 = arith.extui %sign3A_32 : i1 to i32
    %sign3A_34 = arith.constant 0 : i32
    %sign3A_35 = arith.cmpi slt, %jit3A_24, %sign3A_34 : i32
    %sign3A_36 = arith.extui %sign3A_35 : i1 to i32
    %sign3A_37 = arith.subi %sign3A_33, %sign3A_36 : i32
    %ne3A = arith.cmpi ne, %sign3A_30, %sign3A_37 : i32
    %rem3A = arith.remsi %add3A_8, %jit3A_24 : i32
    %ne3A_38 = arith.constant 0 : i32
    %ne3A_39 = arith.cmpi ne, %rem3A, %ne3A_38 : i32
    %and3A = arith.andi %ne3A, %ne3A_39 : i1
    %sub3A = arith.constant 1 : i32
    %sub3A_40 = arith.subi %div3A, %sub3A : i32
    %select_n3A_41 = arith.select %and3A, %sub3A_40, %div3A : i32
    %sub3A_42 = arith.constant 0 : i32
    %sub3A_43 = arith.subi %select_n3A_41, %sub3A_42 : i32
    %sub3A_44 = arith.constant 1 : i32
    %sub3A_45 = arith.constant 1 : i32
    %sub3A_46 = arith.subi %sub3A_44, %sub3A_45 : i32
    %add3A_47 = arith.addi %sub3A_43, %sub3A_46 : i32
    %div3A_48 = arith.constant 1 : i32
    %div3A_49 = arith.divsi %add3A_47, %div3A_48 : i32
    %while3A = arith.constant 1 : i32
    %while3A_50 = arith.constant 0 : i32
    %while3A_51 = arith.constant 0 : i32
    %while3A_52 = arith.subi %div3A_49, %while3A_51 : i32
    %while3A_53 = arith.addi %while3A_51, %while3A_52 : i32
    %while3A_54 = arith.constant 1 : i32
    %while3A_55 = arith.divsi %while3A_52, %while3A_54 : i32
    %while3A_56 = arith.muli %while3A_55, %while3A_54 : i32
    %while3A_57 = arith.addi %while3A_51, %while3A_56 : i32
    %while3A_58 = arith.constant 1 : i32
    scf.for %while3A_99 = %while3A_51 to %while3A_57 step %while3A_58  : i32 {
      %mul3A_100 = arith.muli %while3A_99, %while3A : i32
      %add3A_101 = arith.addi %while3A_50, %mul3A_100 : i32
      %mul3A_102 = arith.constant 2 : i32
      %mul3A_103 = arith.muli %mul3A_102, %add3A_101 : i32
      %gt3A = arith.constant 0 : i32
      %gt3A_104 = arith.cmpi sgt, %add3A_101, %gt3A : i32
      %convert_element_type3A_105 = arith.extui %gt3A_104 : i1 to i32
      %cond3A_106 = arith.constant 0 : i32
      %cond3A_107 = arith.cmpi ne, %convert_element_type3A_105, %cond3A_106 : i32
      scf.if %cond3A_107 {
        %dma_wait3A_194 = arith.constant 1 : i32
        %dma_wait3A_195 = arith.constant 0 : i32
        %dma_wait3A_196 = tpu.memref_slice %arg11[%dma_wait3A_194, %dma_wait3A_195] : memref<2x128xi32, #tpu.memory_space<vmem>> -> memref<1x128xi32, #tpu.memory_space<vmem>>
        %dma_wait3A_197 = tpu.memref_squeeze %dma_wait3A_196 : memref<1x128xi32, #tpu.memory_space<vmem>> -> memref<128xi32, #tpu.memory_space<vmem>>
        %dma_wait3A_198 = arith.constant 0 : i32
        %dma_wait3A_199 = arith.constant 0 : i32
        %dma_wait3A_200 = tpu.memref_slice %arg7[%dma_wait3A_198, %dma_wait3A_199] : memref<10000x128xf32, #tpu.memory_space<vmem_shared>> -> memref<10000x128xf32, #tpu.memory_space<vmem_shared>>
        tpu.wait_indirect_dma semaphore(%arg19 : memref<!tpu.dma_semaphore, #tpu.memory_space<semaphore_mem>>) src(%arg9 : memref<128x128xf32, #tpu.memory_space<vmem>>) dst(%dma_wait3A_200 : memref<10000x128xf32, #tpu.memory_space<vmem_shared>>)
        %dma_wait3A_201 = arith.constant 0 : i32
        %dma_wait3A_202 = arith.constant 0 : i32
        %dma_wait3A_203 = tpu.memref_slice %arg6[%dma_wait3A_201, %dma_wait3A_202] : memref<320000x128xf32, #tpu.memory_space<hbm>> -> memref<128x128xf32, #tpu.memory_space<hbm>>
        %dma_wait3A_204 = arith.constant 0 : i32
        %dma_wait3A_205 = arith.constant 0 : i32
        %dma_wait3A_206 = tpu.memref_slice %arg6[%dma_wait3A_204, %dma_wait3A_205] : memref<320000x128xf32, #tpu.memory_space<hbm>> -> memref<128x128xf32, #tpu.memory_space<hbm>>
        tpu.wait_dma2 semaphore(%arg17 : memref<!tpu.dma_semaphore, #tpu.memory_space<semaphore_mem>>) src(%arg9 : memref<128x128xf32, #tpu.memory_space<vmem>>) dst(%dma_wait3A_206 : memref<128x128xf32, #tpu.memory_space<hbm>>)
      } else {
      }
      %add3A_108 = arith.constant 1 : i32
      %add3A_109 = arith.addi %mul3A_103, %add3A_108 : i32
      %mul3A_110 = arith.constant 128 : i32
      %mul3A_111 = arith.muli %add3A_109, %mul3A_110 : i32
      %add3A_112 = arith.addi %mul3A_14, %mul3A_111 : i32
      %dma_start3A_113 = arith.constant 0 : i32
      %dma_start3A_114 = tpu.memref_slice %arg2[%add3A_112, %dma_start3A_113] : memref<320000x128xf32, #tpu.memory_space<hbm>> -> memref<128x128xf32, #tpu.memory_space<hbm>>
      %dma_start3A_115 = arith.constant 0 : i32
      %dma_start3A_116 = tpu.memref_slice %arg2[%add3A_112, %dma_start3A_115] : memref<320000x128xf32, #tpu.memory_space<hbm>> -> memref<128x128xf32, #tpu.memory_space<hbm>>
      tpu.enqueue_dma source(%dma_start3A_116 : memref<128x128xf32, #tpu.memory_space<hbm>>) target(%arg9 : memref<128x128xf32, #tpu.memory_space<vmem>>) target_semaphore(%arg13 : memref<!tpu.dma_semaphore, #tpu.memory_space<semaphore_mem>>)
      %dma_start3A_117 = arith.constant 0 : i32
      %dma_start3A_118 = tpu.memref_slice %arg3[%dma_start3A_117, %add3A_112] : memref<2x320000xi32, #tpu.memory_space<hbm>> -> memref<2x128xi32, #tpu.memory_space<hbm>>
      %dma_start3A_119 = arith.constant 0 : i32
      %dma_start3A_120 = tpu.memref_slice %arg3[%dma_start3A_119, %add3A_112] : memref<2x320000xi32, #tpu.memory_space<hbm>> -> memref<2x128xi32, #tpu.memory_space<hbm>>
      tpu.enqueue_dma source(%dma_start3A_120 : memref<2x128xi32, #tpu.memory_space<hbm>>) target(%arg11 : memref<2x128xi32, #tpu.memory_space<vmem>>) target_semaphore(%arg15 : memref<!tpu.dma_semaphore, #tpu.memory_space<semaphore_mem>>)
      %dma_wait3A_121 = arith.constant 0 : i32
      %dma_wait3A_122 = arith.constant 0 : i32
      %dma_wait3A_123 = tpu.memref_slice %arg2[%dma_wait3A_121, %dma_wait3A_122] : memref<320000x128xf32, #tpu.memory_space<hbm>> -> memref<128x128xf32, #tpu.memory_space<hbm>>
      %dma_wait3A_124 = arith.constant 0 : i32
      %dma_wait3A_125 = arith.constant 0 : i32
      %dma_wait3A_126 = tpu.memref_slice %arg2[%dma_wait3A_124, %dma_wait3A_125] : memref<320000x128xf32, #tpu.memory_space<hbm>> -> memref<128x128xf32, #tpu.memory_space<hbm>>
      tpu.wait_dma2 semaphore(%arg12 : memref<!tpu.dma_semaphore, #tpu.memory_space<semaphore_mem>>) src(%dma_wait3A_126 : memref<128x128xf32, #tpu.memory_space<hbm>>) dst(%arg8 : memref<128x128xf32, #tpu.memory_space<vmem>>)
      %dma_wait3A_127 = arith.constant 0 : i32
      %dma_wait3A_128 = arith.constant 0 : i32
      %dma_wait3A_129 = tpu.memref_slice %arg3[%dma_wait3A_127, %dma_wait3A_128] : memref<2x320000xi32, #tpu.memory_space<hbm>> -> memref<2x128xi32, #tpu.memory_space<hbm>>
      %dma_wait3A_130 = arith.constant 0 : i32
      %dma_wait3A_131 = arith.constant 0 : i32
      %dma_wait3A_132 = tpu.memref_slice %arg3[%dma_wait3A_130, %dma_wait3A_131] : memref<2x320000xi32, #tpu.memory_space<hbm>> -> memref<2x128xi32, #tpu.memory_space<hbm>>
      tpu.wait_dma2 semaphore(%arg14 : memref<!tpu.dma_semaphore, #tpu.memory_space<semaphore_mem>>) src(%dma_wait3A_132 : memref<2x128xi32, #tpu.memory_space<hbm>>) dst(%arg10 : memref<2x128xi32, #tpu.memory_space<vmem>>)
      %dma_start3A_133 = arith.constant 1 : i32
      %dma_start3A_134 = arith.constant 0 : i32
      %dma_start3A_135 = tpu.memref_slice %arg10[%dma_start3A_133, %dma_start3A_134] : memref<2x128xi32, #tpu.memory_space<vmem>> -> memref<1x128xi32, #tpu.memory_space<vmem>>
      %dma_start3A_136 = tpu.memref_squeeze %dma_start3A_135 : memref<1x128xi32, #tpu.memory_space<vmem>> -> memref<128xi32, #tpu.memory_space<vmem>>
      %dma_start3A_137 = arith.constant 0 : i32
      %dma_start3A_138 = arith.constant 0 : i32
      %dma_start3A_139 = tpu.memref_slice %arg7[%dma_start3A_137, %dma_start3A_138] : memref<10000x128xf32, #tpu.memory_space<vmem_shared>> -> memref<10000x128xf32, #tpu.memory_space<vmem_shared>>
      tpu.enqueue_indirect_dma source(%arg8 : memref<128x128xf32, #tpu.memory_space<vmem>>) target(%dma_start3A_139 : memref<10000x128xf32, #tpu.memory_space<vmem_shared>>) offsets(%dma_start3A_136 : memref<128xi32, #tpu.memory_space<vmem>>) semaphore(%arg18 : memref<!tpu.dma_semaphore, #tpu.memory_space<semaphore_mem>>) {add = true}
      %mul3A_140 = arith.constant 128 : i32
      %mul3A_141 = arith.muli %mul3A_103, %mul3A_140 : i32
      %add3A_142 = arith.addi %mul3A_14, %mul3A_141 : i32
      %dma_start3A_143 = arith.constant 0 : i32
      %dma_start3A_144 = tpu.memref_slice %arg6[%add3A_142, %dma_start3A_143] : memref<320000x128xf32, #tpu.memory_space<hbm>> -> memref<128x128xf32, #tpu.memory_space<hbm>>
      %dma_start3A_145 = arith.constant 0 : i32
      %dma_start3A_146 = tpu.memref_slice %arg6[%add3A_142, %dma_start3A_145] : memref<320000x128xf32, #tpu.memory_space<hbm>> -> memref<128x128xf32, #tpu.memory_space<hbm>>
      tpu.enqueue_dma source(%arg8 : memref<128x128xf32, #tpu.memory_space<vmem>>) target(%dma_start3A_146 : memref<128x128xf32, #tpu.memory_space<hbm>>) target_semaphore(%arg16 : memref<!tpu.dma_semaphore, #tpu.memory_space<semaphore_mem>>)
      %dma_wait3A_147 = arith.constant 0 : i32
      %dma_wait3A_148 = arith.constant 0 : i32
      %dma_wait3A_149 = tpu.memref_slice %arg2[%dma_wait3A_147, %dma_wait3A_148] : memref<320000x128xf32, #tpu.memory_space<hbm>> -> memref<128x128xf32, #tpu.memory_space<hbm>>
      %dma_wait3A_150 = arith.constant 0 : i32
      %dma_wait3A_151 = arith.constant 0 : i32
      %dma_wait3A_152 = tpu.memref_slice %arg2[%dma_wait3A_150, %dma_wait3A_151] : memref<320000x128xf32, #tpu.memory_space<hbm>> -> memref<128x128xf32, #tpu.memory_space<hbm>>
      tpu.wait_dma2 semaphore(%arg13 : memref<!tpu.dma_semaphore, #tpu.memory_space<semaphore_mem>>) src(%dma_wait3A_152 : memref<128x128xf32, #tpu.memory_space<hbm>>) dst(%arg9 : memref<128x128xf32, #tpu.memory_space<vmem>>)
      %dma_wait3A_153 = arith.constant 0 : i32
      %dma_wait3A_154 = arith.constant 0 : i32
      %dma_wait3A_155 = tpu.memref_slice %arg3[%dma_wait3A_153, %dma_wait3A_154] : memref<2x320000xi32, #tpu.memory_space<hbm>> -> memref<2x128xi32, #tpu.memory_space<hbm>>
      %dma_wait3A_156 = arith.constant 0 : i32
      %dma_wait3A_157 = arith.constant 0 : i32
      %dma_wait3A_158 = tpu.memref_slice %arg3[%dma_wait3A_156, %dma_wait3A_157] : memref<2x320000xi32, #tpu.memory_space<hbm>> -> memref<2x128xi32, #tpu.memory_space<hbm>>
      tpu.wait_dma2 semaphore(%arg15 : memref<!tpu.dma_semaphore, #tpu.memory_space<semaphore_mem>>) src(%dma_wait3A_158 : memref<2x128xi32, #tpu.memory_space<hbm>>) dst(%arg11 : memref<2x128xi32, #tpu.memory_space<vmem>>)
      %dma_start3A_159 = arith.constant 1 : i32
      %dma_start3A_160 = arith.constant 0 : i32
      %dma_start3A_161 = tpu.memref_slice %arg11[%dma_start3A_159, %dma_start3A_160] : memref<2x128xi32, #tpu.memory_space<vmem>> -> memref<1x128xi32, #tpu.memory_space<vmem>>
      %dma_start3A_162 = tpu.memref_squeeze %dma_start3A_161 : memref<1x128xi32, #tpu.memory_space<vmem>> -> memref<128xi32, #tpu.memory_space<vmem>>
      %dma_start3A_163 = arith.constant 0 : i32
      %dma_start3A_164 = arith.constant 0 : i32
      %dma_start3A_165 = tpu.memref_slice %arg7[%dma_start3A_163, %dma_start3A_164] : memref<10000x128xf32, #tpu.memory_space<vmem_shared>> -> memref<10000x128xf32, #tpu.memory_space<vmem_shared>>
      tpu.enqueue_indirect_dma source(%arg9 : memref<128x128xf32, #tpu.memory_space<vmem>>) target(%dma_start3A_165 : memref<10000x128xf32, #tpu.memory_space<vmem_shared>>) offsets(%dma_start3A_162 : memref<128xi32, #tpu.memory_space<vmem>>) semaphore(%arg19 : memref<!tpu.dma_semaphore, #tpu.memory_space<semaphore_mem>>) {add = true}
      %add3A_166 = arith.constant 1 : i32
      %add3A_167 = arith.addi %mul3A_103, %add3A_166 : i32
      %mul3A_168 = arith.constant 128 : i32
      %mul3A_169 = arith.muli %add3A_167, %mul3A_168 : i32
      %add3A_170 = arith.addi %mul3A_14, %mul3A_169 : i32
      %dma_start3A_171 = arith.constant 0 : i32
      %dma_start3A_172 = tpu.memref_slice %arg6[%add3A_170, %dma_start3A_171] : memref<320000x128xf32, #tpu.memory_space<hbm>> -> memref<128x128xf32, #tpu.memory_space<hbm>>
      %dma_start3A_173 = arith.constant 0 : i32
      %dma_start3A_174 = tpu.memref_slice %arg6[%add3A_170, %dma_start3A_173] : memref<320000x128xf32, #tpu.memory_space<hbm>> -> memref<128x128xf32, #tpu.memory_space<hbm>>
      tpu.enqueue_dma source(%arg9 : memref<128x128xf32, #tpu.memory_space<vmem>>) target(%dma_start3A_174 : memref<128x128xf32, #tpu.memory_space<hbm>>) target_semaphore(%arg17 : memref<!tpu.dma_semaphore, #tpu.memory_space<semaphore_mem>>)
      %dma_wait3A_175 = arith.constant 1 : i32
      %dma_wait3A_176 = arith.constant 0 : i32
      %dma_wait3A_177 = tpu.memref_slice %arg10[%dma_wait3A_175, %dma_wait3A_176] : memref<2x128xi32, #tpu.memory_space<vmem>> -> memref<1x128xi32, #tpu.memory_space<vmem>>
      %dma_wait3A_178 = tpu.memref_squeeze %dma_wait3A_177 : memref<1x128xi32, #tpu.memory_space<vmem>> -> memref<128xi32, #tpu.memory_space<vmem>>
      %dma_wait3A_179 = arith.constant 0 : i32
      %dma_wait3A_180 = arith.constant 0 : i32
      %dma_wait3A_181 = tpu.memref_slice %arg7[%dma_wait3A_179, %dma_wait3A_180] : memref<10000x128xf32, #tpu.memory_space<vmem_shared>> -> memref<10000x128xf32, #tpu.memory_space<vmem_shared>>
      tpu.wait_indirect_dma semaphore(%arg18 : memref<!tpu.dma_semaphore, #tpu.memory_space<semaphore_mem>>) src(%arg8 : memref<128x128xf32, #tpu.memory_space<vmem>>) dst(%dma_wait3A_181 : memref<10000x128xf32, #tpu.memory_space<vmem_shared>>)
      %dma_wait3A_182 = arith.constant 0 : i32
      %dma_wait3A_183 = arith.constant 0 : i32
      %dma_wait3A_184 = tpu.memref_slice %arg6[%dma_wait3A_182, %dma_wait3A_183] : memref<320000x128xf32, #tpu.memory_space<hbm>> -> memref<128x128xf32, #tpu.memory_space<hbm>>
      %dma_wait3A_185 = arith.constant 0 : i32
      %dma_wait3A_186 = arith.constant 0 : i32
      %dma_wait3A_187 = tpu.memref_slice %arg6[%dma_wait3A_185, %dma_wait3A_186] : memref<320000x128xf32, #tpu.memory_space<hbm>> -> memref<128x128xf32, #tpu.memory_space<hbm>>
      tpu.wait_dma2 semaphore(%arg16 : memref<!tpu.dma_semaphore, #tpu.memory_space<semaphore_mem>>) src(%arg8 : memref<128x128xf32, #tpu.memory_space<vmem>>) dst(%dma_wait3A_187 : memref<128x128xf32, #tpu.memory_space<hbm>>)
      %add3A_188 = arith.constant 2 : i32
      %add3A_189 = arith.addi %mul3A_103, %add3A_188 : i32
      %lt3A_190 = arith.cmpi slt, %add3A_189, %add3A_8 : i32
      %convert_element_type3A_191 = arith.extui %lt3A_190 : i1 to i32
      %cond3A_192 = arith.constant 0 : i32
      %cond3A_193 = arith.cmpi ne, %convert_element_type3A_191, %cond3A_192 : i32
      scf.if %cond3A_193 {
        %add3A_194 = arith.constant 2 : i32
        %add3A_195 = arith.addi %mul3A_103, %add3A_194 : i32
        %mul3A_196 = arith.constant 128 : i32
        %mul3A_197 = arith.muli %add3A_195, %mul3A_196 : i32
        %add3A_198 = arith.addi %mul3A_14, %mul3A_197 : i32
        %dma_start3A_199 = arith.constant 0 : i32
        %dma_start3A_200 = tpu.memref_slice %arg2[%add3A_198, %dma_start3A_199] : memref<320000x128xf32, #tpu.memory_space<hbm>> -> memref<128x128xf32, #tpu.memory_space<hbm>>
        %dma_start3A_201 = arith.constant 0 : i32
        %dma_start3A_202 = tpu.memref_slice %arg2[%add3A_198, %dma_start3A_201] : memref<320000x128xf32, #tpu.memory_space<hbm>> -> memref<128x128xf32, #tpu.memory_space<hbm>>
        tpu.enqueue_dma source(%dma_start3A_202 : memref<128x128xf32, #tpu.memory_space<hbm>>) target(%arg8 : memref<128x128xf32, #tpu.memory_space<vmem>>) target_semaphore(%arg12 : memref<!tpu.dma_semaphore, #tpu.memory_space<semaphore_mem>>)
        %dma_start3A_203 = arith.constant 0 : i32
        %dma_start3A_204 = tpu.memref_slice %arg3[%dma_start3A_203, %add3A_198] : memref<2x320000xi32, #tpu.memory_space<hbm>> -> memref<2x128xi32, #tpu.memory_space<hbm>>
        %dma_start3A_205 = arith.constant 0 : i32
        %dma_start3A_206 = tpu.memref_slice %arg3[%dma_start3A_205, %add3A_198] : memref<2x320000xi32, #tpu.memory_space<hbm>> -> memref<2x128xi32, #tpu.memory_space<hbm>>
        tpu.enqueue_dma source(%dma_start3A_206 : memref<2x128xi32, #tpu.memory_space<hbm>>) target(%arg10 : memref<2x128xi32, #tpu.memory_space<vmem>>) target_semaphore(%arg14 : memref<!tpu.dma_semaphore, #tpu.memory_space<semaphore_mem>>)
      } else {
      }
    }
    %while3A_59 = arith.constant 1 : i32
    scf.for %while3A_99 = %while3A_57 to %while3A_53 step %while3A_59  : i32 {
      %mul3A_100 = arith.muli %while3A_99, %while3A : i32
      %add3A_101 = arith.addi %while3A_50, %mul3A_100 : i32
      %mul3A_102 = arith.constant 2 : i32
      %mul3A_103 = arith.muli %mul3A_102, %add3A_101 : i32
      %gt3A = arith.constant 0 : i32
      %gt3A_104 = arith.cmpi sgt, %add3A_101, %gt3A : i32
      %convert_element_type3A_105 = arith.extui %gt3A_104 : i1 to i32
      %cond3A_106 = arith.constant 0 : i32
      %cond3A_107 = arith.cmpi ne, %convert_element_type3A_105, %cond3A_106 : i32
      scf.if %cond3A_107 {
        %dma_wait3A_194 = arith.constant 1 : i32
        %dma_wait3A_195 = arith.constant 0 : i32
        %dma_wait3A_196 = tpu.memref_slice %arg11[%dma_wait3A_194, %dma_wait3A_195] : memref<2x128xi32, #tpu.memory_space<vmem>> -> memref<1x128xi32, #tpu.memory_space<vmem>>
        %dma_wait3A_197 = tpu.memref_squeeze %dma_wait3A_196 : memref<1x128xi32, #tpu.memory_space<vmem>> -> memref<128xi32, #tpu.memory_space<vmem>>
        %dma_wait3A_198 = arith.constant 0 : i32
        %dma_wait3A_199 = arith.constant 0 : i32
        %dma_wait3A_200 = tpu.memref_slice %arg7[%dma_wait3A_198, %dma_wait3A_199] : memref<10000x128xf32, #tpu.memory_space<vmem_shared>> -> memref<10000x128xf32, #tpu.memory_space<vmem_shared>>
        tpu.wait_indirect_dma semaphore(%arg19 : memref<!tpu.dma_semaphore, #tpu.memory_space<semaphore_mem>>) src(%arg9 : memref<128x128xf32, #tpu.memory_space<vmem>>) dst(%dma_wait3A_200 : memref<10000x128xf32, #tpu.memory_space<vmem_shared>>)
        %dma_wait3A_201 = arith.constant 0 : i32
        %dma_wait3A_202 = arith.constant 0 : i32
        %dma_wait3A_203 = tpu.memref_slice %arg6[%dma_wait3A_201, %dma_wait3A_202] : memref<320000x128xf32, #tpu.memory_space<hbm>> -> memref<128x128xf32, #tpu.memory_space<hbm>>
        %dma_wait3A_204 = arith.constant 0 : i32
        %dma_wait3A_205 = arith.constant 0 : i32
        %dma_wait3A_206 = tpu.memref_slice %arg6[%dma_wait3A_204, %dma_wait3A_205] : memref<320000x128xf32, #tpu.memory_space<hbm>> -> memref<128x128xf32, #tpu.memory_space<hbm>>
        tpu.wait_dma2 semaphore(%arg17 : memref<!tpu.dma_semaphore, #tpu.memory_space<semaphore_mem>>) src(%arg9 : memref<128x128xf32, #tpu.memory_space<vmem>>) dst(%dma_wait3A_206 : memref<128x128xf32, #tpu.memory_space<hbm>>)
      } else {
      }
      %add3A_108 = arith.constant 1 : i32
      %add3A_109 = arith.addi %mul3A_103, %add3A_108 : i32
      %mul3A_110 = arith.constant 128 : i32
      %mul3A_111 = arith.muli %add3A_109, %mul3A_110 : i32
      %add3A_112 = arith.addi %mul3A_14, %mul3A_111 : i32
      %dma_start3A_113 = arith.constant 0 : i32
      %dma_start3A_114 = tpu.memref_slice %arg2[%add3A_112, %dma_start3A_113] : memref<320000x128xf32, #tpu.memory_space<hbm>> -> memref<128x128xf32, #tpu.memory_space<hbm>>
      %dma_start3A_115 = arith.constant 0 : i32
      %dma_start3A_116 = tpu.memref_slice %arg2[%add3A_112, %dma_start3A_115] : memref<320000x128xf32, #tpu.memory_space<hbm>> -> memref<128x128xf32, #tpu.memory_space<hbm>>
      tpu.enqueue_dma source(%dma_start3A_116 : memref<128x128xf32, #tpu.memory_space<hbm>>) target(%arg9 : memref<128x128xf32, #tpu.memory_space<vmem>>) target_semaphore(%arg13 : memref<!tpu.dma_semaphore, #tpu.memory_space<semaphore_mem>>)
      %dma_start3A_117 = arith.constant 0 : i32
      %dma_start3A_118 = tpu.memref_slice %arg3[%dma_start3A_117, %add3A_112] : memref<2x320000xi32, #tpu.memory_space<hbm>> -> memref<2x128xi32, #tpu.memory_space<hbm>>
      %dma_start3A_119 = arith.constant 0 : i32
      %dma_start3A_120 = tpu.memref_slice %arg3[%dma_start3A_119, %add3A_112] : memref<2x320000xi32, #tpu.memory_space<hbm>> -> memref<2x128xi32, #tpu.memory_space<hbm>>
      tpu.enqueue_dma source(%dma_start3A_120 : memref<2x128xi32, #tpu.memory_space<hbm>>) target(%arg11 : memref<2x128xi32, #tpu.memory_space<vmem>>) target_semaphore(%arg15 : memref<!tpu.dma_semaphore, #tpu.memory_space<semaphore_mem>>)
      %dma_wait3A_121 = arith.constant 0 : i32
      %dma_wait3A_122 = arith.constant 0 : i32
      %dma_wait3A_123 = tpu.memref_slice %arg2[%dma_wait3A_121, %dma_wait3A_122] : memref<320000x128xf32, #tpu.memory_space<hbm>> -> memref<128x128xf32, #tpu.memory_space<hbm>>
      %dma_wait3A_124 = arith.constant 0 : i32
      %dma_wait3A_125 = arith.constant 0 : i32
      %dma_wait3A_126 = tpu.memref_slice %arg2[%dma_wait3A_124, %dma_wait3A_125] : memref<320000x128xf32, #tpu.memory_space<hbm>> -> memref<128x128xf32, #tpu.memory_space<hbm>>
      tpu.wait_dma2 semaphore(%arg12 : memref<!tpu.dma_semaphore, #tpu.memory_space<semaphore_mem>>) src(%dma_wait3A_126 : memref<128x128xf32, #tpu.memory_space<hbm>>) dst(%arg8 : memref<128x128xf32, #tpu.memory_space<vmem>>)
      %dma_wait3A_127 = arith.constant 0 : i32
      %dma_wait3A_128 = arith.constant 0 : i32
      %dma_wait3A_129 = tpu.memref_slice %arg3[%dma_wait3A_127, %dma_wait3A_128] : memref<2x320000xi32, #tpu.memory_space<hbm>> -> memref<2x128xi32, #tpu.memory_space<hbm>>
      %dma_wait3A_130 = arith.constant 0 : i32
      %dma_wait3A_131 = arith.constant 0 : i32
      %dma_wait3A_132 = tpu.memref_slice %arg3[%dma_wait3A_130, %dma_wait3A_131] : memref<2x320000xi32, #tpu.memory_space<hbm>> -> memref<2x128xi32, #tpu.memory_space<hbm>>
      tpu.wait_dma2 semaphore(%arg14 : memref<!tpu.dma_semaphore, #tpu.memory_space<semaphore_mem>>) src(%dma_wait3A_132 : memref<2x128xi32, #tpu.memory_space<hbm>>) dst(%arg10 : memref<2x128xi32, #tpu.memory_space<vmem>>)
      %dma_start3A_133 = arith.constant 1 : i32
      %dma_start3A_134 = arith.constant 0 : i32
      %dma_start3A_135 = tpu.memref_slice %arg10[%dma_start3A_133, %dma_start3A_134] : memref<2x128xi32, #tpu.memory_space<vmem>> -> memref<1x128xi32, #tpu.memory_space<vmem>>
      %dma_start3A_136 = tpu.memref_squeeze %dma_start3A_135 : memref<1x128xi32, #tpu.memory_space<vmem>> -> memref<128xi32, #tpu.memory_space<vmem>>
      %dma_start3A_137 = arith.constant 0 : i32
      %dma_start3A_138 = arith.constant 0 : i32
      %dma_start3A_139 = tpu.memref_slice %arg7[%dma_start3A_137, %dma_start3A_138] : memref<10000x128xf32, #tpu.memory_space<vmem_shared>> -> memref<10000x128xf32, #tpu.memory_space<vmem_shared>>
      tpu.enqueue_indirect_dma source(%arg8 : memref<128x128xf32, #tpu.memory_space<vmem>>) target(%dma_start3A_139 : memref<10000x128xf32, #tpu.memory_space<vmem_shared>>) offsets(%dma_start3A_136 : memref<128xi32, #tpu.memory_space<vmem>>) semaphore(%arg18 : memref<!tpu.dma_semaphore, #tpu.memory_space<semaphore_mem>>) {add = true}
      %mul3A_140 = arith.constant 128 : i32
      %mul3A_141 = arith.muli %mul3A_103, %mul3A_140 : i32
      %add3A_142 = arith.addi %mul3A_14, %mul3A_141 : i32
      %dma_start3A_143 = arith.constant 0 : i32
      %dma_start3A_144 = tpu.memref_slice %arg6[%add3A_142, %dma_start3A_143] : memref<320000x128xf32, #tpu.memory_space<hbm>> -> memref<128x128xf32, #tpu.memory_space<hbm>>
      %dma_start3A_145 = arith.constant 0 : i32
      %dma_start3A_146 = tpu.memref_slice %arg6[%add3A_142, %dma_start3A_145] : memref<320000x128xf32, #tpu.memory_space<hbm>> -> memref<128x128xf32, #tpu.memory_space<hbm>>
      tpu.enqueue_dma source(%arg8 : memref<128x128xf32, #tpu.memory_space<vmem>>) target(%dma_start3A_146 : memref<128x128xf32, #tpu.memory_space<hbm>>) target_semaphore(%arg16 : memref<!tpu.dma_semaphore, #tpu.memory_space<semaphore_mem>>)
      %dma_wait3A_147 = arith.constant 0 : i32
      %dma_wait3A_148 = arith.constant 0 : i32
      %dma_wait3A_149 = tpu.memref_slice %arg2[%dma_wait3A_147, %dma_wait3A_148] : memref<320000x128xf32, #tpu.memory_space<hbm>> -> memref<128x128xf32, #tpu.memory_space<hbm>>
      %dma_wait3A_150 = arith.constant 0 : i32
      %dma_wait3A_151 = arith.constant 0 : i32
      %dma_wait3A_152 = tpu.memref_slice %arg2[%dma_wait3A_150, %dma_wait3A_151] : memref<320000x128xf32, #tpu.memory_space<hbm>> -> memref<128x128xf32, #tpu.memory_space<hbm>>
      tpu.wait_dma2 semaphore(%arg13 : memref<!tpu.dma_semaphore, #tpu.memory_space<semaphore_mem>>) src(%dma_wait3A_152 : memref<128x128xf32, #tpu.memory_space<hbm>>) dst(%arg9 : memref<128x128xf32, #tpu.memory_space<vmem>>)
      %dma_wait3A_153 = arith.constant 0 : i32
      %dma_wait3A_154 = arith.constant 0 : i32
      %dma_wait3A_155 = tpu.memref_slice %arg3[%dma_wait3A_153, %dma_wait3A_154] : memref<2x320000xi32, #tpu.memory_space<hbm>> -> memref<2x128xi32, #tpu.memory_space<hbm>>
      %dma_wait3A_156 = arith.constant 0 : i32
      %dma_wait3A_157 = arith.constant 0 : i32
      %dma_wait3A_158 = tpu.memref_slice %arg3[%dma_wait3A_156, %dma_wait3A_157] : memref<2x320000xi32, #tpu.memory_space<hbm>> -> memref<2x128xi32, #tpu.memory_space<hbm>>
      tpu.wait_dma2 semaphore(%arg15 : memref<!tpu.dma_semaphore, #tpu.memory_space<semaphore_mem>>) src(%dma_wait3A_158 : memref<2x128xi32, #tpu.memory_space<hbm>>) dst(%arg11 : memref<2x128xi32, #tpu.memory_space<vmem>>)
      %dma_start3A_159 = arith.constant 1 : i32
      %dma_start3A_160 = arith.constant 0 : i32
      %dma_start3A_161 = tpu.memref_slice %arg11[%dma_start3A_159, %dma_start3A_160] : memref<2x128xi32, #tpu.memory_space<vmem>> -> memref<1x128xi32, #tpu.memory_space<vmem>>
      %dma_start3A_162 = tpu.memref_squeeze %dma_start3A_161 : memref<1x128xi32, #tpu.memory_space<vmem>> -> memref<128xi32, #tpu.memory_space<vmem>>
      %dma_start3A_163 = arith.constant 0 : i32
      %dma_start3A_164 = arith.constant 0 : i32
      %dma_start3A_165 = tpu.memref_slice %arg7[%dma_start3A_163, %dma_start3A_164] : memref<10000x128xf32, #tpu.memory_space<vmem_shared>> -> memref<10000x128xf32, #tpu.memory_space<vmem_shared>>
      tpu.enqueue_indirect_dma source(%arg9 : memref<128x128xf32, #tpu.memory_space<vmem>>) target(%dma_start3A_165 : memref<10000x128xf32, #tpu.memory_space<vmem_shared>>) offsets(%dma_start3A_162 : memref<128xi32, #tpu.memory_space<vmem>>) semaphore(%arg19 : memref<!tpu.dma_semaphore, #tpu.memory_space<semaphore_mem>>) {add = true}
      %add3A_166 = arith.constant 1 : i32
      %add3A_167 = arith.addi %mul3A_103, %add3A_166 : i32
      %mul3A_168 = arith.constant 128 : i32
      %mul3A_169 = arith.muli %add3A_167, %mul3A_168 : i32
      %add3A_170 = arith.addi %mul3A_14, %mul3A_169 : i32
      %dma_start3A_171 = arith.constant 0 : i32
      %dma_start3A_172 = tpu.memref_slice %arg6[%add3A_170, %dma_start3A_171] : memref<320000x128xf32, #tpu.memory_space<hbm>> -> memref<128x128xf32, #tpu.memory_space<hbm>>
      %dma_start3A_173 = arith.constant 0 : i32
      %dma_start3A_174 = tpu.memref_slice %arg6[%add3A_170, %dma_start3A_173] : memref<320000x128xf32, #tpu.memory_space<hbm>> -> memref<128x128xf32, #tpu.memory_space<hbm>>
      tpu.enqueue_dma source(%arg9 : memref<128x128xf32, #tpu.memory_space<vmem>>) target(%dma_start3A_174 : memref<128x128xf32, #tpu.memory_space<hbm>>) target_semaphore(%arg17 : memref<!tpu.dma_semaphore, #tpu.memory_space<semaphore_mem>>)
      %dma_wait3A_175 = arith.constant 1 : i32
      %dma_wait3A_176 = arith.constant 0 : i32
      %dma_wait3A_177 = tpu.memref_slice %arg10[%dma_wait3A_175, %dma_wait3A_176] : memref<2x128xi32, #tpu.memory_space<vmem>> -> memref<1x128xi32, #tpu.memory_space<vmem>>
      %dma_wait3A_178 = tpu.memref_squeeze %dma_wait3A_177 : memref<1x128xi32, #tpu.memory_space<vmem>> -> memref<128xi32, #tpu.memory_space<vmem>>
      %dma_wait3A_179 = arith.constant 0 : i32
      %dma_wait3A_180 = arith.constant 0 : i32
      %dma_wait3A_181 = tpu.memref_slice %arg7[%dma_wait3A_179, %dma_wait3A_180] : memref<10000x128xf32, #tpu.memory_space<vmem_shared>> -> memref<10000x128xf32, #tpu.memory_space<vmem_shared>>
      tpu.wait_indirect_dma semaphore(%arg18 : memref<!tpu.dma_semaphore, #tpu.memory_space<semaphore_mem>>) src(%arg8 : memref<128x128xf32, #tpu.memory_space<vmem>>) dst(%dma_wait3A_181 : memref<10000x128xf32, #tpu.memory_space<vmem_shared>>)
      %dma_wait3A_182 = arith.constant 0 : i32
      %dma_wait3A_183 = arith.constant 0 : i32
      %dma_wait3A_184 = tpu.memref_slice %arg6[%dma_wait3A_182, %dma_wait3A_183] : memref<320000x128xf32, #tpu.memory_space<hbm>> -> memref<128x128xf32, #tpu.memory_space<hbm>>
      %dma_wait3A_185 = arith.constant 0 : i32
      %dma_wait3A_186 = arith.constant 0 : i32
      %dma_wait3A_187 = tpu.memref_slice %arg6[%dma_wait3A_185, %dma_wait3A_186] : memref<320000x128xf32, #tpu.memory_space<hbm>> -> memref<128x128xf32, #tpu.memory_space<hbm>>
      tpu.wait_dma2 semaphore(%arg16 : memref<!tpu.dma_semaphore, #tpu.memory_space<semaphore_mem>>) src(%arg8 : memref<128x128xf32, #tpu.memory_space<vmem>>) dst(%dma_wait3A_187 : memref<128x128xf32, #tpu.memory_space<hbm>>)
      %add3A_188 = arith.constant 2 : i32
      %add3A_189 = arith.addi %mul3A_103, %add3A_188 : i32
      %lt3A_190 = arith.cmpi slt, %add3A_189, %add3A_8 : i32
      %convert_element_type3A_191 = arith.extui %lt3A_190 : i1 to i32
      %cond3A_192 = arith.constant 0 : i32
      %cond3A_193 = arith.cmpi ne, %convert_element_type3A_191, %cond3A_192 : i32
      scf.if %cond3A_193 {
        %add3A_194 = arith.constant 2 : i32
        %add3A_195 = arith.addi %mul3A_103, %add3A_194 : i32
        %mul3A_196 = arith.constant 128 : i32
        %mul3A_197 = arith.muli %add3A_195, %mul3A_196 : i32
        %add3A_198 = arith.addi %mul3A_14, %mul3A_197 : i32
        %dma_start3A_199 = arith.constant 0 : i32
        %dma_start3A_200 = tpu.memref_slice %arg2[%add3A_198, %dma_start3A_199] : memref<320000x128xf32, #tpu.memory_space<hbm>> -> memref<128x128xf32, #tpu.memory_space<hbm>>
        %dma_start3A_201 = arith.constant 0 : i32
        %dma_start3A_202 = tpu.memref_slice %arg2[%add3A_198, %dma_start3A_201] : memref<320000x128xf32, #tpu.memory_space<hbm>> -> memref<128x128xf32, #tpu.memory_space<hbm>>
        tpu.enqueue_dma source(%dma_start3A_202 : memref<128x128xf32, #tpu.memory_space<hbm>>) target(%arg8 : memref<128x128xf32, #tpu.memory_space<vmem>>) target_semaphore(%arg12 : memref<!tpu.dma_semaphore, #tpu.memory_space<semaphore_mem>>)
        %dma_start3A_203 = arith.constant 0 : i32
        %dma_start3A_204 = tpu.memref_slice %arg3[%dma_start3A_203, %add3A_198] : memref<2x320000xi32, #tpu.memory_space<hbm>> -> memref<2x128xi32, #tpu.memory_space<hbm>>
        %dma_start3A_205 = arith.constant 0 : i32
        %dma_start3A_206 = tpu.memref_slice %arg3[%dma_start3A_205, %add3A_198] : memref<2x320000xi32, #tpu.memory_space<hbm>> -> memref<2x128xi32, #tpu.memory_space<hbm>>
        tpu.enqueue_dma source(%dma_start3A_206 : memref<2x128xi32, #tpu.memory_space<hbm>>) target(%arg10 : memref<2x128xi32, #tpu.memory_space<vmem>>) target_semaphore(%arg14 : memref<!tpu.dma_semaphore, #tpu.memory_space<semaphore_mem>>)
      } else {
      }
    }
    %dma_wait3A = arith.constant 1 : i32
    %dma_wait3A_60 = arith.constant 0 : i32
    %dma_wait3A_61 = tpu.memref_slice %arg11[%dma_wait3A, %dma_wait3A_60] : memref<2x128xi32, #tpu.memory_space<vmem>> -> memref<1x128xi32, #tpu.memory_space<vmem>>
    %dma_wait3A_62 = tpu.memref_squeeze %dma_wait3A_61 : memref<1x128xi32, #tpu.memory_space<vmem>> -> memref<128xi32, #tpu.memory_space<vmem>>
    %dma_wait3A_63 = arith.constant 0 : i32
    %dma_wait3A_64 = arith.constant 0 : i32
    %dma_wait3A_65 = tpu.memref_slice %arg7[%dma_wait3A_63, %dma_wait3A_64] : memref<10000x128xf32, #tpu.memory_space<vmem_shared>> -> memref<10000x128xf32, #tpu.memory_space<vmem_shared>>
    tpu.wait_indirect_dma semaphore(%arg19 : memref<!tpu.dma_semaphore, #tpu.memory_space<semaphore_mem>>) src(%arg9 : memref<128x128xf32, #tpu.memory_space<vmem>>) dst(%dma_wait3A_65 : memref<10000x128xf32, #tpu.memory_space<vmem_shared>>)
    %dma_wait3A_66 = arith.constant 0 : i32
    %dma_wait3A_67 = arith.constant 0 : i32
    %dma_wait3A_68 = tpu.memref_slice %arg6[%dma_wait3A_66, %dma_wait3A_67] : memref<320000x128xf32, #tpu.memory_space<hbm>> -> memref<128x128xf32, #tpu.memory_space<hbm>>
    %dma_wait3A_69 = arith.constant 0 : i32
    %dma_wait3A_70 = arith.constant 0 : i32
    %dma_wait3A_71 = tpu.memref_slice %arg6[%dma_wait3A_69, %dma_wait3A_70] : memref<320000x128xf32, #tpu.memory_space<hbm>> -> memref<128x128xf32, #tpu.memory_space<hbm>>
    tpu.wait_dma2 semaphore(%arg17 : memref<!tpu.dma_semaphore, #tpu.memory_space<semaphore_mem>>) src(%arg9 : memref<128x128xf32, #tpu.memory_space<vmem>>) dst(%dma_wait3A_71 : memref<128x128xf32, #tpu.memory_space<hbm>>)
    %jit3A_72 = arith.constant 2 : i32
    %eq3A_73 = arith.constant 0 : i32
    %eq3A_74 = arith.cmpi eq, %jit3A_72, %eq3A_73 : i32
    %jit3A_75 = arith.constant 1 : i32
    %select_n3A_76 = arith.select %eq3A_74, %jit3A_75, %jit3A_72 : i32
    %rem3A_77 = arith.remsi %add3A_8, %select_n3A_76 : i32
    %ne3A_78 = arith.constant 0 : i32
    %ne3A_79 = arith.cmpi ne, %rem3A_77, %ne3A_78 : i32
    %lt3A_80 = arith.constant 0 : i32
    %lt3A_81 = arith.cmpi slt, %rem3A_77, %lt3A_80 : i32
    %lt3A_82 = arith.constant 0 : i32
    %lt3A_83 = arith.cmpi slt, %select_n3A_76, %lt3A_82 : i32
    %ne3A_84 = arith.xori %lt3A_81, %lt3A_83 : i1
    %and3A_85 = arith.andi %ne3A_84, %ne3A_79 : i1
    %add3A_86 = arith.addi %rem3A_77, %select_n3A_76 : i32
    %select_n3A_87 = arith.select %and3A_85, %add3A_86, %rem3A_77 : i32
    %eq3A_88 = arith.constant 1 : i32
    %eq3A_89 = arith.cmpi eq, %select_n3A_87, %eq3A_88 : i32
    %convert_element_type3A_90 = arith.extui %eq3A_89 : i1 to i32
    %cond3A_91 = arith.constant 0 : i32
    %cond3A_92 = arith.cmpi ne, %convert_element_type3A_90, %cond3A_91 : i32
    scf.if %cond3A_92 {
      %dma_wait3A_99 = arith.constant 0 : i32
      %dma_wait3A_100 = arith.constant 0 : i32
      %dma_wait3A_101 = tpu.memref_slice %arg2[%dma_wait3A_99, %dma_wait3A_100] : memref<320000x128xf32, #tpu.memory_space<hbm>> -> memref<128x128xf32, #tpu.memory_space<hbm>>
      %dma_wait3A_102 = arith.constant 0 : i32
      %dma_wait3A_103 = arith.constant 0 : i32
      %dma_wait3A_104 = tpu.memref_slice %arg2[%dma_wait3A_102, %dma_wait3A_103] : memref<320000x128xf32, #tpu.memory_space<hbm>> -> memref<128x128xf32, #tpu.memory_space<hbm>>
      tpu.wait_dma2 semaphore(%arg12 : memref<!tpu.dma_semaphore, #tpu.memory_space<semaphore_mem>>) src(%dma_wait3A_104 : memref<128x128xf32, #tpu.memory_space<hbm>>) dst(%arg8 : memref<128x128xf32, #tpu.memory_space<vmem>>)
      %dma_wait3A_105 = arith.constant 0 : i32
      %dma_wait3A_106 = arith.constant 0 : i32
      %dma_wait3A_107 = tpu.memref_slice %arg3[%dma_wait3A_105, %dma_wait3A_106] : memref<2x320000xi32, #tpu.memory_space<hbm>> -> memref<2x128xi32, #tpu.memory_space<hbm>>
      %dma_wait3A_108 = arith.constant 0 : i32
      %dma_wait3A_109 = arith.constant 0 : i32
      %dma_wait3A_110 = tpu.memref_slice %arg3[%dma_wait3A_108, %dma_wait3A_109] : memref<2x320000xi32, #tpu.memory_space<hbm>> -> memref<2x128xi32, #tpu.memory_space<hbm>>
      tpu.wait_dma2 semaphore(%arg14 : memref<!tpu.dma_semaphore, #tpu.memory_space<semaphore_mem>>) src(%dma_wait3A_110 : memref<2x128xi32, #tpu.memory_space<hbm>>) dst(%arg10 : memref<2x128xi32, #tpu.memory_space<vmem>>)
      %dma_start3A_111 = arith.constant 1 : i32
      %dma_start3A_112 = arith.constant 0 : i32
      %dma_start3A_113 = tpu.memref_slice %arg10[%dma_start3A_111, %dma_start3A_112] : memref<2x128xi32, #tpu.memory_space<vmem>> -> memref<1x128xi32, #tpu.memory_space<vmem>>
      %dma_start3A_114 = tpu.memref_squeeze %dma_start3A_113 : memref<1x128xi32, #tpu.memory_space<vmem>> -> memref<128xi32, #tpu.memory_space<vmem>>
      %dma_start3A_115 = arith.constant 0 : i32
      %dma_start3A_116 = arith.constant 0 : i32
      %dma_start3A_117 = tpu.memref_slice %arg7[%dma_start3A_115, %dma_start3A_116] : memref<10000x128xf32, #tpu.memory_space<vmem_shared>> -> memref<10000x128xf32, #tpu.memory_space<vmem_shared>>
      tpu.enqueue_indirect_dma source(%arg8 : memref<128x128xf32, #tpu.memory_space<vmem>>) target(%dma_start3A_117 : memref<10000x128xf32, #tpu.memory_space<vmem_shared>>) offsets(%dma_start3A_114 : memref<128xi32, #tpu.memory_space<vmem>>) semaphore(%arg18 : memref<!tpu.dma_semaphore, #tpu.memory_space<semaphore_mem>>) {add = true}
      %sub3A_118 = arith.constant 1 : i32
      %sub3A_119 = arith.subi %add3A_8, %sub3A_118 : i32
      %mul3A_120 = arith.constant 128 : i32
      %mul3A_121 = arith.muli %sub3A_119, %mul3A_120 : i32
      %add3A_122 = arith.addi %mul3A_14, %mul3A_121 : i32
      %dma_start3A_123 = arith.constant 0 : i32
      %dma_start3A_124 = tpu.memref_slice %arg6[%add3A_122, %dma_start3A_123] : memref<320000x128xf32, #tpu.memory_space<hbm>> -> memref<128x128xf32, #tpu.memory_space<hbm>>
      %dma_start3A_125 = arith.constant 0 : i32
      %dma_start3A_126 = tpu.memref_slice %arg6[%add3A_122, %dma_start3A_125] : memref<320000x128xf32, #tpu.memory_space<hbm>> -> memref<128x128xf32, #tpu.memory_space<hbm>>
      tpu.enqueue_dma source(%arg8 : memref<128x128xf32, #tpu.memory_space<vmem>>) target(%dma_start3A_126 : memref<128x128xf32, #tpu.memory_space<hbm>>) target_semaphore(%arg16 : memref<!tpu.dma_semaphore, #tpu.memory_space<semaphore_mem>>)
      %dma_wait3A_127 = arith.constant 1 : i32
      %dma_wait3A_128 = arith.constant 0 : i32
      %dma_wait3A_129 = tpu.memref_slice %arg10[%dma_wait3A_127, %dma_wait3A_128] : memref<2x128xi32, #tpu.memory_space<vmem>> -> memref<1x128xi32, #tpu.memory_space<vmem>>
      %dma_wait3A_130 = tpu.memref_squeeze %dma_wait3A_129 : memref<1x128xi32, #tpu.memory_space<vmem>> -> memref<128xi32, #tpu.memory_space<vmem>>
      %dma_wait3A_131 = arith.constant 0 : i32
      %dma_wait3A_132 = arith.constant 0 : i32
      %dma_wait3A_133 = tpu.memref_slice %arg7[%dma_wait3A_131, %dma_wait3A_132] : memref<10000x128xf32, #tpu.memory_space<vmem_shared>> -> memref<10000x128xf32, #tpu.memory_space<vmem_shared>>
      tpu.wait_indirect_dma semaphore(%arg18 : memref<!tpu.dma_semaphore, #tpu.memory_space<semaphore_mem>>) src(%arg8 : memref<128x128xf32, #tpu.memory_space<vmem>>) dst(%dma_wait3A_133 : memref<10000x128xf32, #tpu.memory_space<vmem_shared>>)
      %dma_wait3A_134 = arith.constant 0 : i32
      %dma_wait3A_135 = arith.constant 0 : i32
      %dma_wait3A_136 = tpu.memref_slice %arg6[%dma_wait3A_134, %dma_wait3A_135] : memref<320000x128xf32, #tpu.memory_space<hbm>> -> memref<128x128xf32, #tpu.memory_space<hbm>>
      %dma_wait3A_137 = arith.constant 0 : i32
      %dma_wait3A_138 = arith.constant 0 : i32
      %dma_wait3A_139 = tpu.memref_slice %arg6[%dma_wait3A_137, %dma_wait3A_138] : memref<320000x128xf32, #tpu.memory_space<hbm>> -> memref<128x128xf32, #tpu.memory_space<hbm>>
      tpu.wait_dma2 semaphore(%arg16 : memref<!tpu.dma_semaphore, #tpu.memory_space<semaphore_mem>>) src(%arg8 : memref<128x128xf32, #tpu.memory_space<vmem>>) dst(%dma_wait3A_139 : memref<128x128xf32, #tpu.memory_space<hbm>>)
    } else {
    }
    %barrier3A_93 = arith.constant 0 : index
    tpu.barrier barrier_id(%barrier3A_93)
    "tpu.region"() ({
      %run_scoped3A = tpu.sem_alloc : memref<!tpu.dma_semaphore, #tpu.memory_space<semaphore_mem>>
      %dma_start3A_99 = arith.constant 0 : i32
      %dma_start3A_100 = tpu.memref_slice %arg5[%arg0, %mul3A_2, %dma_start3A_99] : memref<2x10000x128xf32, #tpu.memory_space<hbm>> -> memref<1x624x128xf32, #tpu.memory_space<hbm>>
      %dma_start3A_101 = tpu.memref_squeeze %dma_start3A_100 : memref<1x624x128xf32, #tpu.memory_space<hbm>> -> memref<624x128xf32, #tpu.memory_space<hbm>>
      %dma_start3A_102 = arith.constant 0 : i32
      %dma_start3A_103 = tpu.memref_slice %arg7[%mul3A_2, %dma_start3A_102] : memref<10000x128xf32, #tpu.memory_space<vmem_shared>> -> memref<624x128xf32, #tpu.memory_space<vmem_shared>>
      tpu.enqueue_dma source(%dma_start3A_103 : memref<624x128xf32, #tpu.memory_space<vmem_shared>>) target(%dma_start3A_101 : memref<624x128xf32, #tpu.memory_space<hbm>>) target_semaphore(%run_scoped3A : memref<!tpu.dma_semaphore, #tpu.memory_space<semaphore_mem>>)
      %dma_wait3A_104 = arith.constant 0 : i32
      %dma_wait3A_105 = tpu.memref_slice %arg5[%arg0, %mul3A_2, %dma_wait3A_104] : memref<2x10000x128xf32, #tpu.memory_space<hbm>> -> memref<1x624x128xf32, #tpu.memory_space<hbm>>
      %dma_wait3A_106 = tpu.memref_squeeze %dma_wait3A_105 : memref<1x624x128xf32, #tpu.memory_space<hbm>> -> memref<624x128xf32, #tpu.memory_space<hbm>>
      %dma_wait3A_107 = arith.constant 0 : i32
      %dma_wait3A_108 = tpu.memref_slice %arg7[%mul3A_2, %dma_wait3A_107] : memref<10000x128xf32, #tpu.memory_space<vmem_shared>> -> memref<624x128xf32, #tpu.memory_space<vmem_shared>>
      tpu.wait_dma2 semaphore(%run_scoped3A : memref<!tpu.dma_semaphore, #tpu.memory_space<semaphore_mem>>) src(%dma_wait3A_108 : memref<624x128xf32, #tpu.memory_space<vmem_shared>>) dst(%dma_wait3A_106 : memref<624x128xf32, #tpu.memory_space<hbm>>)
      tpu.yield
    }) : () -> ()
    %eq3A_94 = arith.constant 15 : i32
    %eq3A_95 = arith.cmpi eq, %arg1, %eq3A_94 : i32
    %convert_element_type3A_96 = arith.extui %eq3A_95 : i1 to i32
    %cond3A_97 = arith.constant 0 : i32
    %cond3A_98 = arith.cmpi ne, %convert_element_type3A_96, %cond3A_97 : i32
    scf.if %cond3A_98 {
      "tpu.region"() ({
        %run_scoped3A = tpu.sem_alloc : memref<!tpu.dma_semaphore, #tpu.memory_space<semaphore_mem>>
        %dma_start3A_99 = arith.constant 9984 : i32
        %dma_start3A_100 = arith.constant 0 : i32
        %dma_start3A_101 = tpu.memref_slice %arg5[%arg0, %dma_start3A_99, %dma_start3A_100] : memref<2x10000x128xf32, #tpu.memory_space<hbm>> -> memref<1x16x128xf32, #tpu.memory_space<hbm>>
        %dma_start3A_102 = tpu.memref_squeeze %dma_start3A_101 : memref<1x16x128xf32, #tpu.memory_space<hbm>> -> memref<16x128xf32, #tpu.memory_space<hbm>>
        %dma_start3A_103 = arith.constant 9984 : i32
        %dma_start3A_104 = arith.constant 0 : i32
        %dma_start3A_105 = tpu.memref_slice %arg7[%dma_start3A_103, %dma_start3A_104] : memref<10000x128xf32, #tpu.memory_space<vmem_shared>> -> memref<16x128xf32, #tpu.memory_space<vmem_shared>>
        tpu.enqueue_dma source(%dma_start3A_105 : memref<16x128xf32, #tpu.memory_space<vmem_shared>>) target(%dma_start3A_102 : memref<16x128xf32, #tpu.memory_space<hbm>>) target_semaphore(%run_scoped3A : memref<!tpu.dma_semaphore, #tpu.memory_space<semaphore_mem>>)
        %dma_wait3A_106 = arith.constant 9984 : i32
        %dma_wait3A_107 = arith.constant 0 : i32
        %dma_wait3A_108 = tpu.memref_slice %arg5[%arg0, %dma_wait3A_106, %dma_wait3A_107] : memref<2x10000x128xf32, #tpu.memory_space<hbm>> -> memref<1x16x128xf32, #tpu.memory_space<hbm>>
        %dma_wait3A_109 = tpu.memref_squeeze %dma_wait3A_108 : memref<1x16x128xf32, #tpu.memory_space<hbm>> -> memref<16x128xf32, #tpu.memory_space<hbm>>
        %dma_wait3A_110 = arith.constant 9984 : i32
        %dma_wait3A_111 = arith.constant 0 : i32
        %dma_wait3A_112 = tpu.memref_slice %arg7[%dma_wait3A_110, %dma_wait3A_111] : memref<10000x128xf32, #tpu.memory_space<vmem_shared>> -> memref<16x128xf32, #tpu.memory_space<vmem_shared>>
        tpu.wait_dma2 semaphore(%run_scoped3A : memref<!tpu.dma_semaphore, #tpu.memory_space<semaphore_mem>>) src(%dma_wait3A_112 : memref<16x128xf32, #tpu.memory_space<vmem_shared>>) dst(%dma_wait3A_109 : memref<16x128xf32, #tpu.memory_space<hbm>>)
        tpu.yield
      }) : () -> ()
    } else {
    }
    return
  }
}

module attributes {stable_mosaic.version = 14 : i64} {
  func.func @_mlp_body(%arg0: i32, %arg1: memref<2000x128xf32, #tpu.memory_space<vmem>>, %arg2: memref<2x2000x128xf32, #tpu.memory_space<vmem>>, %arg3: memref<2000x16xf32, #tpu.memory_space<vmem>>, %arg4: memref<128x256xbf16, #tpu.memory_space<vmem>>, %arg5: memref<128x256xbf16, #tpu.memory_space<vmem>>, %arg6: memref<128x256xbf16, #tpu.memory_space<vmem>>, %arg7: memref<128x256xbf16, #tpu.memory_space<vmem>>, %arg8: memref<16x256xbf16, #tpu.memory_space<vmem>>, %arg9: memref<16x256xbf16, #tpu.memory_space<vmem>>, %arg10: memref<1x256xf32, #tpu.memory_space<vmem>>, %arg11: memref<1x256xf32, #tpu.memory_space<vmem>>, %arg12: memref<1x256xf32, #tpu.memory_space<vmem>>, %arg13: memref<256x256xbf16, #tpu.memory_space<vmem>>, %arg14: memref<256x256xbf16, #tpu.memory_space<vmem>>, %arg15: memref<1x256xf32, #tpu.memory_space<vmem>>, %arg16: memref<1x256xf32, #tpu.memory_space<vmem>>, %arg17: memref<1x256xf32, #tpu.memory_space<vmem>>, %arg18: memref<256x128xbf16, #tpu.memory_space<vmem>>, %arg19: memref<256x128xbf16, #tpu.memory_space<vmem>>, %arg20: memref<1x128xf32, #tpu.memory_space<vmem>>, %arg21: memref<2000x128xf32, #tpu.memory_space<vmem>>) attributes {dimension_semantics = [#tpu.dimension_semantics<arbitrary>], iteration_bounds = array<i64: 5>, scalar_prefetch = 0 : i64, scratch_operands = 0 : i64, tpu.core_type = #tpu.core_type<tc>, window_params = [{transform_indices = @transform_0, window_bounds = array<i64: 2000, 128>}, {transform_indices = @transform_1, window_bounds = array<i64: 2, 2000, 128>}, {transform_indices = @transform_2, window_bounds = array<i64: 2000, 16>}, {transform_indices = @transform_3, window_bounds = array<i64: 128, 256>}, {transform_indices = @transform_4, window_bounds = array<i64: 128, 256>}, {transform_indices = @transform_5, window_bounds = array<i64: 128, 256>}, {transform_indices = @transform_6, window_bounds = array<i64: 128, 256>}, {transform_indices = @transform_7, window_bounds = array<i64: 16, 256>}, {transform_indices = @transform_8, window_bounds = array<i64: 16, 256>}, {pipeline_mode = #tpu.pipeline_mode<synchronous>, transform_indices = @transform_9, window_bounds = array<i64: 1, 256>}, {pipeline_mode = #tpu.pipeline_mode<synchronous>, transform_indices = @transform_10, window_bounds = array<i64: 1, 256>}, {pipeline_mode = #tpu.pipeline_mode<synchronous>, transform_indices = @transform_11, window_bounds = array<i64: 1, 256>}, {pipeline_mode = #tpu.pipeline_mode<synchronous>, transform_indices = @transform_12, window_bounds = array<i64: 256, 256>}, {pipeline_mode = #tpu.pipeline_mode<synchronous>, transform_indices = @transform_13, window_bounds = array<i64: 256, 256>}, {pipeline_mode = #tpu.pipeline_mode<synchronous>, transform_indices = @transform_14, window_bounds = array<i64: 1, 256>}, {pipeline_mode = #tpu.pipeline_mode<synchronous>, transform_indices = @transform_15, window_bounds = array<i64: 1, 256>}, {pipeline_mode = #tpu.pipeline_mode<synchronous>, transform_indices = @transform_16, window_bounds = array<i64: 1, 256>}, {pipeline_mode = #tpu.pipeline_mode<synchronous>, transform_indices = @transform_17, window_bounds = array<i64: 256, 128>}, {pipeline_mode = #tpu.pipeline_mode<synchronous>, transform_indices = @transform_18, window_bounds = array<i64: 256, 128>}, {pipeline_mode = #tpu.pipeline_mode<synchronous>, transform_indices = @transform_19, window_bounds = array<i64: 1, 128>}, {transform_indices = @transform_20, window_bounds = array<i64: 2000, 128>}]} {
    %get3A = arith.constant 0 : index
    %get3A_0 = arith.constant 0 : index
    %get3A_1 = vector.load %arg1[%get3A, %get3A_0] : memref<2000x128xf32, #tpu.memory_space<vmem>>, vector<2000x128xf32>
    %get3A_2 = arith.constant 0 : index
    %get3A_3 = arith.constant 0 : index
    %get3A_4 = arith.constant 0 : index
    %get3A_5 = vector.load %arg2[%get3A_2, %get3A_3, %get3A_4] : memref<2x2000x128xf32, #tpu.memory_space<vmem>>, vector<1x2000x128xf32>
    %get3A_6 = vector.shape_cast %get3A_5 : vector<1x2000x128xf32> to vector<2000x128xf32>
    %get3A_7 = arith.constant 1 : index
    %get3A_8 = arith.constant 0 : index
    %get3A_9 = arith.constant 0 : index
    %get3A_10 = vector.load %arg2[%get3A_7, %get3A_8, %get3A_9] : memref<2x2000x128xf32, #tpu.memory_space<vmem>>, vector<1x2000x128xf32>
    %get3A_11 = vector.shape_cast %get3A_10 : vector<1x2000x128xf32> to vector<2000x128xf32>
    %add3A = arith.addf %get3A_6, %get3A_11 : vector<2000x128xf32>
    %get3A_12 = arith.constant 0 : index
    %get3A_13 = arith.constant 0 : index
    %get3A_14 = vector.load %arg4[%get3A_12, %get3A_13] : memref<128x256xbf16, #tpu.memory_space<vmem>>, vector<128x256xbf16>
    %get3A_15 = arith.constant 0 : index
    %get3A_16 = arith.constant 0 : index
    %get3A_17 = vector.load %arg5[%get3A_15, %get3A_16] : memref<128x256xbf16, #tpu.memory_space<vmem>>, vector<128x256xbf16>
    %convert_element_type3A = arith.truncf %get3A_1 : vector<2000x128xf32> to vector<2000x128xbf16>
    %convert_element_type3A_18 = arith.extf %convert_element_type3A : vector<2000x128xbf16> to vector<2000x128xf32>
    %sub3A = arith.subf %get3A_1, %convert_element_type3A_18 : vector<2000x128xf32>
    %convert_element_type3A_19 = arith.truncf %sub3A : vector<2000x128xf32> to vector<2000x128xbf16>
    %dot_general3A = arith.constant dense<0.000000e+00> : vector<2000x256xf32>
    %dot_general3A_20 = tpu.matmul %convert_element_type3A, %get3A_14, %dot_general3A {dimension_numbers = #tpu.dot_dimension_numbers<[1], [0], [0], [1], [0, 0, 1, 1], [], []>, transpose_lhs_hint = false} : vector<2000x128xbf16>, vector<128x256xbf16>, vector<2000x256xf32> -> vector<2000x256xf32>
    %dot_general3A_21 = arith.constant dense<0.000000e+00> : vector<2000x256xf32>
    %dot_general3A_22 = tpu.matmul %convert_element_type3A, %get3A_17, %dot_general3A_21 {dimension_numbers = #tpu.dot_dimension_numbers<[1], [0], [0], [1], [0, 0, 1, 1], [], []>, transpose_lhs_hint = false} : vector<2000x128xbf16>, vector<128x256xbf16>, vector<2000x256xf32> -> vector<2000x256xf32>
    %add3A_23 = arith.addf %dot_general3A_20, %dot_general3A_22 : vector<2000x256xf32>
    %dot_general3A_24 = arith.constant dense<0.000000e+00> : vector<2000x256xf32>
    %dot_general3A_25 = tpu.matmul %convert_element_type3A_19, %get3A_14, %dot_general3A_24 {dimension_numbers = #tpu.dot_dimension_numbers<[1], [0], [0], [1], [0, 0, 1, 1], [], []>, transpose_lhs_hint = false} : vector<2000x128xbf16>, vector<128x256xbf16>, vector<2000x256xf32> -> vector<2000x256xf32>
    %add3A_26 = arith.addf %add3A_23, %dot_general3A_25 : vector<2000x256xf32>
    %get3A_27 = arith.constant 0 : index
    %get3A_28 = arith.constant 0 : index
    %get3A_29 = vector.load %arg6[%get3A_27, %get3A_28] : memref<128x256xbf16, #tpu.memory_space<vmem>>, vector<128x256xbf16>
    %get3A_30 = arith.constant 0 : index
    %get3A_31 = arith.constant 0 : index
    %get3A_32 = vector.load %arg7[%get3A_30, %get3A_31] : memref<128x256xbf16, #tpu.memory_space<vmem>>, vector<128x256xbf16>
    %convert_element_type3A_33 = arith.truncf %add3A : vector<2000x128xf32> to vector<2000x128xbf16>
    %convert_element_type3A_34 = arith.extf %convert_element_type3A_33 : vector<2000x128xbf16> to vector<2000x128xf32>
    %sub3A_35 = arith.subf %add3A, %convert_element_type3A_34 : vector<2000x128xf32>
    %convert_element_type3A_36 = arith.truncf %sub3A_35 : vector<2000x128xf32> to vector<2000x128xbf16>
    %dot_general3A_37 = arith.constant dense<0.000000e+00> : vector<2000x256xf32>
    %dot_general3A_38 = tpu.matmul %convert_element_type3A_33, %get3A_29, %dot_general3A_37 {dimension_numbers = #tpu.dot_dimension_numbers<[1], [0], [0], [1], [0, 0, 1, 1], [], []>, transpose_lhs_hint = false} : vector<2000x128xbf16>, vector<128x256xbf16>, vector<2000x256xf32> -> vector<2000x256xf32>
    %dot_general3A_39 = arith.constant dense<0.000000e+00> : vector<2000x256xf32>
    %dot_general3A_40 = tpu.matmul %convert_element_type3A_33, %get3A_32, %dot_general3A_39 {dimension_numbers = #tpu.dot_dimension_numbers<[1], [0], [0], [1], [0, 0, 1, 1], [], []>, transpose_lhs_hint = false} : vector<2000x128xbf16>, vector<128x256xbf16>, vector<2000x256xf32> -> vector<2000x256xf32>
    %add3A_41 = arith.addf %dot_general3A_38, %dot_general3A_40 : vector<2000x256xf32>
    %dot_general3A_42 = arith.constant dense<0.000000e+00> : vector<2000x256xf32>
    %dot_general3A_43 = tpu.matmul %convert_element_type3A_36, %get3A_29, %dot_general3A_42 {dimension_numbers = #tpu.dot_dimension_numbers<[1], [0], [0], [1], [0, 0, 1, 1], [], []>, transpose_lhs_hint = false} : vector<2000x128xbf16>, vector<128x256xbf16>, vector<2000x256xf32> -> vector<2000x256xf32>
    %add3A_44 = arith.addf %add3A_41, %dot_general3A_43 : vector<2000x256xf32>
    %add3A_45 = arith.addf %add3A_26, %add3A_44 : vector<2000x256xf32>
    %get3A_46 = arith.constant 0 : index
    %get3A_47 = arith.constant 0 : index
    %get3A_48 = vector.load %arg3[%get3A_46, %get3A_47] : memref<2000x16xf32, #tpu.memory_space<vmem>>, vector<2000x16xf32>
    %get3A_49 = arith.constant 0 : index
    %get3A_50 = arith.constant 0 : index
    %get3A_51 = vector.load %arg8[%get3A_49, %get3A_50] : memref<16x256xbf16, #tpu.memory_space<vmem>>, vector<16x256xbf16>
    %get3A_52 = arith.constant 0 : index
    %get3A_53 = arith.constant 0 : index
    %get3A_54 = vector.load %arg9[%get3A_52, %get3A_53] : memref<16x256xbf16, #tpu.memory_space<vmem>>, vector<16x256xbf16>
    %convert_element_type3A_55 = arith.truncf %get3A_48 : vector<2000x16xf32> to vector<2000x16xbf16>
    %convert_element_type3A_56 = arith.extf %convert_element_type3A_55 : vector<2000x16xbf16> to vector<2000x16xf32>
    %sub3A_57 = arith.subf %get3A_48, %convert_element_type3A_56 : vector<2000x16xf32>
    %convert_element_type3A_58 = arith.truncf %sub3A_57 : vector<2000x16xf32> to vector<2000x16xbf16>
    %dot_general3A_59 = arith.constant dense<0.000000e+00> : vector<2000x256xf32>
    %dot_general3A_60 = tpu.matmul %convert_element_type3A_55, %get3A_51, %dot_general3A_59 {dimension_numbers = #tpu.dot_dimension_numbers<[1], [0], [0], [1], [0, 0, 1, 1], [], []>, transpose_lhs_hint = false} : vector<2000x16xbf16>, vector<16x256xbf16>, vector<2000x256xf32> -> vector<2000x256xf32>
    %dot_general3A_61 = arith.constant dense<0.000000e+00> : vector<2000x256xf32>
    %dot_general3A_62 = tpu.matmul %convert_element_type3A_55, %get3A_54, %dot_general3A_61 {dimension_numbers = #tpu.dot_dimension_numbers<[1], [0], [0], [1], [0, 0, 1, 1], [], []>, transpose_lhs_hint = false} : vector<2000x16xbf16>, vector<16x256xbf16>, vector<2000x256xf32> -> vector<2000x256xf32>
    %add3A_63 = arith.addf %dot_general3A_60, %dot_general3A_62 : vector<2000x256xf32>
    %dot_general3A_64 = arith.constant dense<0.000000e+00> : vector<2000x256xf32>
    %dot_general3A_65 = tpu.matmul %convert_element_type3A_58, %get3A_51, %dot_general3A_64 {dimension_numbers = #tpu.dot_dimension_numbers<[1], [0], [0], [1], [0, 0, 1, 1], [], []>, transpose_lhs_hint = false} : vector<2000x16xbf16>, vector<16x256xbf16>, vector<2000x256xf32> -> vector<2000x256xf32>
    %add3A_66 = arith.addf %add3A_63, %dot_general3A_65 : vector<2000x256xf32>
    %add3A_67 = arith.addf %add3A_45, %add3A_66 : vector<2000x256xf32>
    %get3A_68 = arith.constant 0 : index
    %get3A_69 = arith.constant 0 : index
    %get3A_70 = vector.load %arg10[%get3A_68, %get3A_69] : memref<1x256xf32, #tpu.memory_space<vmem>>, vector<1x256xf32>
    %add3A_71 = vector.broadcast %get3A_70 : vector<1x256xf32> to vector<2000x256xf32>
    %add3A_72 = arith.addf %add3A_67, %add3A_71 : vector<2000x256xf32>
    %get3A_73 = arith.constant 0 : index
    %get3A_74 = arith.constant 0 : index
    %get3A_75 = vector.load %arg11[%get3A_73, %get3A_74] : memref<1x256xf32, #tpu.memory_space<vmem>>, vector<1x256xf32>
    %get3A_76 = arith.constant 0 : index
    %get3A_77 = arith.constant 0 : index
    %get3A_78 = vector.load %arg12[%get3A_76, %get3A_77] : memref<1x256xf32, #tpu.memory_space<vmem>>, vector<1x256xf32>
    %reduce_sum3A = arith.constant dense<0.000000e+00> : vector<2000xf32>
    %reduce_sum3A_79 = vector.multi_reduction <add>, %add3A_72, %reduce_sum3A [1] : vector<2000x256xf32> to vector<2000xf32>
    %broadcast_in_dim3A = vector.shape_cast %reduce_sum3A_79 : vector<2000xf32> to vector<2000x1xf32>
    %div3A = arith.constant 2.560000e+02 : f32
    %div3A_80 = vector.broadcast %div3A : f32 to vector<2000x1xf32>
    %div3A_81 = arith.divf %broadcast_in_dim3A, %div3A_80 : vector<2000x1xf32>
    %sub3A_82 = vector.broadcast %div3A_81 : vector<2000x1xf32> to vector<2000x256xf32>
    %sub3A_83 = arith.subf %add3A_72, %sub3A_82 : vector<2000x256xf32>
    %integer_pow3A = arith.mulf %sub3A_83, %sub3A_83 : vector<2000x256xf32>
    %reduce_sum3A_84 = arith.constant dense<0.000000e+00> : vector<2000xf32>
    %reduce_sum3A_85 = vector.multi_reduction <add>, %integer_pow3A, %reduce_sum3A_84 [1] : vector<2000x256xf32> to vector<2000xf32>
    %broadcast_in_dim3A_86 = vector.shape_cast %reduce_sum3A_85 : vector<2000xf32> to vector<2000x1xf32>
    %div3A_87 = arith.constant 2.560000e+02 : f32
    %div3A_88 = vector.broadcast %div3A_87 : f32 to vector<2000x1xf32>
    %div3A_89 = arith.divf %broadcast_in_dim3A_86, %div3A_88 : vector<2000x1xf32>
    %sub3A_90 = vector.broadcast %div3A_81 : vector<2000x1xf32> to vector<2000x256xf32>
    %sub3A_91 = arith.subf %add3A_72, %sub3A_90 : vector<2000x256xf32>
    %add3A_92 = arith.constant 9.99999974E-6 : f32
    %add3A_93 = vector.broadcast %add3A_92 : f32 to vector<2000x1xf32>
    %add3A_94 = arith.addf %div3A_89, %add3A_93 : vector<2000x1xf32>
    %sqrt3A = math.sqrt %add3A_94 : vector<2000x1xf32>
    %div3A_95 = vector.broadcast %sqrt3A : vector<2000x1xf32> to vector<2000x256xf32>
    %div3A_96 = arith.divf %sub3A_91, %div3A_95 : vector<2000x256xf32>
    %mul3A = vector.broadcast %get3A_75 : vector<1x256xf32> to vector<2000x256xf32>
    %mul3A_97 = arith.mulf %div3A_96, %mul3A : vector<2000x256xf32>
    %add3A_98 = vector.broadcast %get3A_78 : vector<1x256xf32> to vector<2000x256xf32>
    %add3A_99 = arith.addf %mul3A_97, %add3A_98 : vector<2000x256xf32>
    %neg3A = arith.constant 0.000000e+00 : f32
    %neg3A_100 = vector.broadcast %neg3A : f32 to vector<2000x256xf32>
    %neg3A_101 = arith.subf %neg3A_100, %add3A_99 : vector<2000x256xf32>
    %exp3A = math.exp %neg3A_101 : vector<2000x256xf32>
    %add3A_102 = arith.constant 1.000000e+00 : f32
    %add3A_103 = vector.broadcast %add3A_102 : f32 to vector<2000x256xf32>
    %add3A_104 = arith.addf %add3A_103, %exp3A : vector<2000x256xf32>
    %div3A_105 = arith.divf %add3A_99, %add3A_104 : vector<2000x256xf32>
    %get3A_106 = arith.constant 0 : index
    %get3A_107 = arith.constant 0 : index
    %get3A_108 = vector.load %arg13[%get3A_106, %get3A_107] : memref<256x256xbf16, #tpu.memory_space<vmem>>, vector<256x256xbf16>
    %get3A_109 = arith.constant 0 : index
    %get3A_110 = arith.constant 0 : index
    %get3A_111 = vector.load %arg14[%get3A_109, %get3A_110] : memref<256x256xbf16, #tpu.memory_space<vmem>>, vector<256x256xbf16>
    %convert_element_type3A_112 = arith.truncf %div3A_105 : vector<2000x256xf32> to vector<2000x256xbf16>
    %convert_element_type3A_113 = arith.extf %convert_element_type3A_112 : vector<2000x256xbf16> to vector<2000x256xf32>
    %sub3A_114 = arith.subf %div3A_105, %convert_element_type3A_113 : vector<2000x256xf32>
    %convert_element_type3A_115 = arith.truncf %sub3A_114 : vector<2000x256xf32> to vector<2000x256xbf16>
    %dot_general3A_116 = arith.constant dense<0.000000e+00> : vector<2000x256xf32>
    %dot_general3A_117 = tpu.matmul %convert_element_type3A_112, %get3A_108, %dot_general3A_116 {dimension_numbers = #tpu.dot_dimension_numbers<[1], [0], [0], [1], [0, 0, 1, 1], [], []>, transpose_lhs_hint = false} : vector<2000x256xbf16>, vector<256x256xbf16>, vector<2000x256xf32> -> vector<2000x256xf32>
    %dot_general3A_118 = arith.constant dense<0.000000e+00> : vector<2000x256xf32>
    %dot_general3A_119 = tpu.matmul %convert_element_type3A_112, %get3A_111, %dot_general3A_118 {dimension_numbers = #tpu.dot_dimension_numbers<[1], [0], [0], [1], [0, 0, 1, 1], [], []>, transpose_lhs_hint = false} : vector<2000x256xbf16>, vector<256x256xbf16>, vector<2000x256xf32> -> vector<2000x256xf32>
    %add3A_120 = arith.addf %dot_general3A_117, %dot_general3A_119 : vector<2000x256xf32>
    %dot_general3A_121 = arith.constant dense<0.000000e+00> : vector<2000x256xf32>
    %dot_general3A_122 = tpu.matmul %convert_element_type3A_115, %get3A_108, %dot_general3A_121 {dimension_numbers = #tpu.dot_dimension_numbers<[1], [0], [0], [1], [0, 0, 1, 1], [], []>, transpose_lhs_hint = false} : vector<2000x256xbf16>, vector<256x256xbf16>, vector<2000x256xf32> -> vector<2000x256xf32>
    %add3A_123 = arith.addf %add3A_120, %dot_general3A_122 : vector<2000x256xf32>
    %get3A_124 = arith.constant 0 : index
    %get3A_125 = arith.constant 0 : index
    %get3A_126 = vector.load %arg15[%get3A_124, %get3A_125] : memref<1x256xf32, #tpu.memory_space<vmem>>, vector<1x256xf32>
    %add3A_127 = vector.broadcast %get3A_126 : vector<1x256xf32> to vector<2000x256xf32>
    %add3A_128 = arith.addf %add3A_123, %add3A_127 : vector<2000x256xf32>
    %get3A_129 = arith.constant 0 : index
    %get3A_130 = arith.constant 0 : index
    %get3A_131 = vector.load %arg16[%get3A_129, %get3A_130] : memref<1x256xf32, #tpu.memory_space<vmem>>, vector<1x256xf32>
    %get3A_132 = arith.constant 0 : index
    %get3A_133 = arith.constant 0 : index
    %get3A_134 = vector.load %arg17[%get3A_132, %get3A_133] : memref<1x256xf32, #tpu.memory_space<vmem>>, vector<1x256xf32>
    %reduce_sum3A_135 = arith.constant dense<0.000000e+00> : vector<2000xf32>
    %reduce_sum3A_136 = vector.multi_reduction <add>, %add3A_128, %reduce_sum3A_135 [1] : vector<2000x256xf32> to vector<2000xf32>
    %broadcast_in_dim3A_137 = vector.shape_cast %reduce_sum3A_136 : vector<2000xf32> to vector<2000x1xf32>
    %div3A_138 = arith.constant 2.560000e+02 : f32
    %div3A_139 = vector.broadcast %div3A_138 : f32 to vector<2000x1xf32>
    %div3A_140 = arith.divf %broadcast_in_dim3A_137, %div3A_139 : vector<2000x1xf32>
    %sub3A_141 = vector.broadcast %div3A_140 : vector<2000x1xf32> to vector<2000x256xf32>
    %sub3A_142 = arith.subf %add3A_128, %sub3A_141 : vector<2000x256xf32>
    %integer_pow3A_143 = arith.mulf %sub3A_142, %sub3A_142 : vector<2000x256xf32>
    %reduce_sum3A_144 = arith.constant dense<0.000000e+00> : vector<2000xf32>
    %reduce_sum3A_145 = vector.multi_reduction <add>, %integer_pow3A_143, %reduce_sum3A_144 [1] : vector<2000x256xf32> to vector<2000xf32>
    %broadcast_in_dim3A_146 = vector.shape_cast %reduce_sum3A_145 : vector<2000xf32> to vector<2000x1xf32>
    %div3A_147 = arith.constant 2.560000e+02 : f32
    %div3A_148 = vector.broadcast %div3A_147 : f32 to vector<2000x1xf32>
    %div3A_149 = arith.divf %broadcast_in_dim3A_146, %div3A_148 : vector<2000x1xf32>
    %sub3A_150 = vector.broadcast %div3A_140 : vector<2000x1xf32> to vector<2000x256xf32>
    %sub3A_151 = arith.subf %add3A_128, %sub3A_150 : vector<2000x256xf32>
    %add3A_152 = arith.constant 9.99999974E-6 : f32
    %add3A_153 = vector.broadcast %add3A_152 : f32 to vector<2000x1xf32>
    %add3A_154 = arith.addf %div3A_149, %add3A_153 : vector<2000x1xf32>
    %sqrt3A_155 = math.sqrt %add3A_154 : vector<2000x1xf32>
    %div3A_156 = vector.broadcast %sqrt3A_155 : vector<2000x1xf32> to vector<2000x256xf32>
    %div3A_157 = arith.divf %sub3A_151, %div3A_156 : vector<2000x256xf32>
    %mul3A_158 = vector.broadcast %get3A_131 : vector<1x256xf32> to vector<2000x256xf32>
    %mul3A_159 = arith.mulf %div3A_157, %mul3A_158 : vector<2000x256xf32>
    %add3A_160 = vector.broadcast %get3A_134 : vector<1x256xf32> to vector<2000x256xf32>
    %add3A_161 = arith.addf %mul3A_159, %add3A_160 : vector<2000x256xf32>
    %neg3A_162 = arith.constant 0.000000e+00 : f32
    %neg3A_163 = vector.broadcast %neg3A_162 : f32 to vector<2000x256xf32>
    %neg3A_164 = arith.subf %neg3A_163, %add3A_161 : vector<2000x256xf32>
    %exp3A_165 = math.exp %neg3A_164 : vector<2000x256xf32>
    %add3A_166 = arith.constant 1.000000e+00 : f32
    %add3A_167 = vector.broadcast %add3A_166 : f32 to vector<2000x256xf32>
    %add3A_168 = arith.addf %add3A_167, %exp3A_165 : vector<2000x256xf32>
    %div3A_169 = arith.divf %add3A_161, %add3A_168 : vector<2000x256xf32>
    %get3A_170 = arith.constant 0 : index
    %get3A_171 = arith.constant 0 : index
    %get3A_172 = vector.load %arg18[%get3A_170, %get3A_171] : memref<256x128xbf16, #tpu.memory_space<vmem>>, vector<256x128xbf16>
    %get3A_173 = arith.constant 0 : index
    %get3A_174 = arith.constant 0 : index
    %get3A_175 = vector.load %arg19[%get3A_173, %get3A_174] : memref<256x128xbf16, #tpu.memory_space<vmem>>, vector<256x128xbf16>
    %convert_element_type3A_176 = arith.truncf %div3A_169 : vector<2000x256xf32> to vector<2000x256xbf16>
    %convert_element_type3A_177 = arith.extf %convert_element_type3A_176 : vector<2000x256xbf16> to vector<2000x256xf32>
    %sub3A_178 = arith.subf %div3A_169, %convert_element_type3A_177 : vector<2000x256xf32>
    %convert_element_type3A_179 = arith.truncf %sub3A_178 : vector<2000x256xf32> to vector<2000x256xbf16>
    %dot_general3A_180 = arith.constant dense<0.000000e+00> : vector<2000x128xf32>
    %dot_general3A_181 = tpu.matmul %convert_element_type3A_176, %get3A_172, %dot_general3A_180 {dimension_numbers = #tpu.dot_dimension_numbers<[1], [0], [0], [1], [0, 0, 1, 1], [], []>, transpose_lhs_hint = false} : vector<2000x256xbf16>, vector<256x128xbf16>, vector<2000x128xf32> -> vector<2000x128xf32>
    %dot_general3A_182 = arith.constant dense<0.000000e+00> : vector<2000x128xf32>
    %dot_general3A_183 = tpu.matmul %convert_element_type3A_176, %get3A_175, %dot_general3A_182 {dimension_numbers = #tpu.dot_dimension_numbers<[1], [0], [0], [1], [0, 0, 1, 1], [], []>, transpose_lhs_hint = false} : vector<2000x256xbf16>, vector<256x128xbf16>, vector<2000x128xf32> -> vector<2000x128xf32>
    %add3A_184 = arith.addf %dot_general3A_181, %dot_general3A_183 : vector<2000x128xf32>
    %dot_general3A_185 = arith.constant dense<0.000000e+00> : vector<2000x128xf32>
    %dot_general3A_186 = tpu.matmul %convert_element_type3A_179, %get3A_172, %dot_general3A_185 {dimension_numbers = #tpu.dot_dimension_numbers<[1], [0], [0], [1], [0, 0, 1, 1], [], []>, transpose_lhs_hint = false} : vector<2000x256xbf16>, vector<256x128xbf16>, vector<2000x128xf32> -> vector<2000x128xf32>
    %add3A_187 = arith.addf %add3A_184, %dot_general3A_186 : vector<2000x128xf32>
    %get3A_188 = arith.constant 0 : index
    %get3A_189 = arith.constant 0 : index
    %get3A_190 = vector.load %arg20[%get3A_188, %get3A_189] : memref<1x128xf32, #tpu.memory_space<vmem>>, vector<1x128xf32>
    %add3A_191 = vector.broadcast %get3A_190 : vector<1x128xf32> to vector<2000x128xf32>
    %add3A_192 = arith.addf %add3A_187, %add3A_191 : vector<2000x128xf32>
    %add3A_193 = arith.addf %add3A_192, %get3A_1 : vector<2000x128xf32>
    %swap3A = arith.constant 0 : index
    %swap3A_194 = arith.constant 0 : index
    %swap3A_195 = vector.load %arg21[%swap3A, %swap3A_194] : memref<2000x128xf32, #tpu.memory_space<vmem>>, vector<2000x128xf32>
    tpu.vector_store %arg21[%swap3A, %swap3A_194], %add3A_193 {strides = array<i32>} : memref<2000x128xf32, #tpu.memory_space<vmem>>, vector<2000x128xf32>,
    return
  }
  func.func @transform_0(%arg0: i32) -> (i32, i32) {
    %c0_i32 = arith.constant 0 : i32
    %c0_i32_0 = arith.constant 0 : i32
    return %arg0, %c0_i32 : i32, i32
  }
  func.func @transform_1(%arg0: i32) -> (i32, i32, i32) {
    %c0_i32 = arith.constant 0 : i32
    %c0_i32_0 = arith.constant 0 : i32
    %c0_i32_1 = arith.constant 0 : i32
    return %c0_i32, %arg0, %c0_i32_0 : i32, i32, i32
  }
  func.func @transform_2(%arg0: i32) -> (i32, i32) {
    %c0_i32 = arith.constant 0 : i32
    %c0_i32_0 = arith.constant 0 : i32
    return %arg0, %c0_i32 : i32, i32
  }
  func.func @transform_3(%arg0: i32) -> (i32, i32) {
    %c0_i32 = arith.constant 0 : i32
    %c0_i32_0 = arith.constant 0 : i32
    %c0_i32_1 = arith.constant 0 : i32
    return %c0_i32, %c0_i32_0 : i32, i32
  }
  func.func @transform_4(%arg0: i32) -> (i32, i32) {
    %c0_i32 = arith.constant 0 : i32
    %c0_i32_0 = arith.constant 0 : i32
    %c0_i32_1 = arith.constant 0 : i32
    return %c0_i32, %c0_i32_0 : i32, i32
  }
  func.func @transform_5(%arg0: i32) -> (i32, i32) {
    %c1_i32 = arith.constant 1 : i32
    %c0_i32 = arith.constant 0 : i32
    %c0_i32_0 = arith.constant 0 : i32
    return %c1_i32, %c0_i32 : i32, i32
  }
  func.func @transform_6(%arg0: i32) -> (i32, i32) {
    %c1_i32 = arith.constant 1 : i32
    %c0_i32 = arith.constant 0 : i32
    %c0_i32_0 = arith.constant 0 : i32
    return %c1_i32, %c0_i32 : i32, i32
  }
  func.func @transform_7(%arg0: i32) -> (i32, i32) {
    %c16_i32 = arith.constant 16 : i32
    %c0_i32 = arith.constant 0 : i32
    %c0_i32_0 = arith.constant 0 : i32
    return %c16_i32, %c0_i32 : i32, i32
  }
  func.func @transform_8(%arg0: i32) -> (i32, i32) {
    %c16_i32 = arith.constant 16 : i32
    %c0_i32 = arith.constant 0 : i32
    %c0_i32_0 = arith.constant 0 : i32
    return %c16_i32, %c0_i32 : i32, i32
  }
  func.func @transform_9(%arg0: i32) -> (i32, i32) {
    %c0_i32 = arith.constant 0 : i32
    %c0_i32_0 = arith.constant 0 : i32
    %c0_i32_1 = arith.constant 0 : i32
    return %c0_i32, %c0_i32_0 : i32, i32
  }
  func.func @transform_10(%arg0: i32) -> (i32, i32) {
    %c0_i32 = arith.constant 0 : i32
    %c0_i32_0 = arith.constant 0 : i32
    %c0_i32_1 = arith.constant 0 : i32
    return %c0_i32, %c0_i32_0 : i32, i32
  }
  func.func @transform_11(%arg0: i32) -> (i32, i32) {
    %c0_i32 = arith.constant 0 : i32
    %c0_i32_0 = arith.constant 0 : i32
    %c0_i32_1 = arith.constant 0 : i32
    return %c0_i32, %c0_i32_0 : i32, i32
  }
  func.func @transform_12(%arg0: i32) -> (i32, i32) {
    %c0_i32 = arith.constant 0 : i32
    %c0_i32_0 = arith.constant 0 : i32
    %c0_i32_1 = arith.constant 0 : i32
    return %c0_i32, %c0_i32_0 : i32, i32
  }
  func.func @transform_13(%arg0: i32) -> (i32, i32) {
    %c0_i32 = arith.constant 0 : i32
    %c0_i32_0 = arith.constant 0 : i32
    %c0_i32_1 = arith.constant 0 : i32
    return %c0_i32, %c0_i32_0 : i32, i32
  }
  func.func @transform_14(%arg0: i32) -> (i32, i32) {
    %c0_i32 = arith.constant 0 : i32
    %c0_i32_0 = arith.constant 0 : i32
    %c0_i32_1 = arith.constant 0 : i32
    return %c0_i32, %c0_i32_0 : i32, i32
  }
  func.func @transform_15(%arg0: i32) -> (i32, i32) {
    %c0_i32 = arith.constant 0 : i32
    %c0_i32_0 = arith.constant 0 : i32
    %c0_i32_1 = arith.constant 0 : i32
    return %c0_i32, %c0_i32_0 : i32, i32
  }
  func.func @transform_16(%arg0: i32) -> (i32, i32) {
    %c0_i32 = arith.constant 0 : i32
    %c0_i32_0 = arith.constant 0 : i32
    %c0_i32_1 = arith.constant 0 : i32
    return %c0_i32, %c0_i32_0 : i32, i32
  }
  func.func @transform_17(%arg0: i32) -> (i32, i32) {
    %c0_i32 = arith.constant 0 : i32
    %c0_i32_0 = arith.constant 0 : i32
    %c0_i32_1 = arith.constant 0 : i32
    return %c0_i32, %c0_i32_0 : i32, i32
  }
  func.func @transform_18(%arg0: i32) -> (i32, i32) {
    %c0_i32 = arith.constant 0 : i32
    %c0_i32_0 = arith.constant 0 : i32
    %c0_i32_1 = arith.constant 0 : i32
    return %c0_i32, %c0_i32_0 : i32, i32
  }
  func.func @transform_19(%arg0: i32) -> (i32, i32) {
    %c0_i32 = arith.constant 0 : i32
    %c0_i32_0 = arith.constant 0 : i32
    %c0_i32_1 = arith.constant 0 : i32
    return %c0_i32, %c0_i32_0 : i32, i32
  }
  func.func @transform_20(%arg0: i32) -> (i32, i32) {
    %c0_i32 = arith.constant 0 : i32
    %c0_i32_0 = arith.constant 0 : i32
    return %arg0, %c0_i32 : i32, i32
  }
}

</mosaic_0001>

<sc_bundles>
// kernel: kernel.4.cloned.1.call-start
scs
__scs_entry_jumppad:
0x0: {  	(pc) =	sbr.rel $0x88, $3  }
0x1: {  	(tag) =	ssettag $0x0;
	lr =	simm.s32 $0x1  }
0x2: {  	[smem:$0x3F93] =	sst lr;
	_ =	strace $0xD0000000  }
0x3: {  	_ = 	snop  }
0x4: {  	_ = 	snop  }
0x5: {  	_ = 	snop  }
0x6: {  	_ = 	snop  }
0x7: {  	_ = 	snop  }
__scs_overlays_trampoline_lowered:
0x8: {  	[smem:$0x3FA2] =	sst s0  }
0x9: {  	[smem:$0x3FA3] =	sst s1  }
0xa: {  	[smem:$0x3FA4] =	sst s2  }
0xb: {  	[smem:$0x3FA5] =	sst s3  }
0xc: {  	[smem:$0x3FA6] =	sst s4  }
0xd: {  	[smem:$0x3FA7] =	sst s5  }
0xe: {  	[smem:$0x3FA8] =	sst s6  }
0xf: {  	[smem:$0x3FA9] =	sst s7  }
0x10: {  	[smem:$0x3FAA] =	sst s8  }
0x11: {  	[smem:$0x3FAB] =	sst s9;
	s0 =	simm.s32 @!p0 $0x0  }
0x12: {  	s1 =	sld [smem:$0x3F91];
	s0 =	simm.s32 @p0 $0x1  }
0x13: {  	[smem:$0x3FAC] =	sst s0;
	s0 =	simm.s32 @!p1 $0x0  }
0x14: {  	s2 =	sld [smem:$0x3F90];
	s0 =	simm.s32 @p1 $0x1  }
0x15: {  	[smem:$0x3FAD] =	sst s0;
	s0 =	simm.s32 @!p2 $0x0  }
0x16: {  	s3 =	sld [smem:$0x3FDB];
	s0 =	simm.s32 @p2 $0x1  }
0x17: {  	s4 =	simm.s32 $0x1BF5;
	[smem:$0x3FAF] =	sst s0  }
0x18: {  	s0 =	sld [smem:$0x3F92];
	_ =	swait.ge [sflag:s4], $0x0  }
0x19: {  	s7 =	sld [smem:$0x3F93]  }
0x1a: {  	s8 =	sadd.s32 $0xFFFFE003, lr  }
0x1b: {  	s9 =	sadd.s32 $0xFFFFFEF7, lr;
	s5 =	simm.s32 $0xFFFFFFFF;
	p2 =	slt.u32 s8, $0xFFFFF086  }
0x1c: {  	p1 =	slt.u32 s9, $0xF7A;
	s5 =	simm.s32 @!p2 $0x0  }
0x1d: {  	s5 =	simm.s32 @p1 $0x1;
	p0 =	seq.s32 s7, s2  }
0x1e: {  	s7 =	smul.u32 @!p0 $0xF7A, s2;
	p2 =	seq.s32 @!p0 s5, $0x0  }
0x1f: {  	s9 =	smul.u32 $0xF7A, s1;
	s8 =	simm.s32 @!p0 $0x1BF5;
	p2 =	por !p2, p0  }
0x20: {  	[sflag:s8] =	ssyncset.s32 @!p0 $0xFFFFF086;
	s6 =	sadd.s32 @!p0 s3, s7;
	s7 =	simm.s32 @!p0 $0x108  }
0x21: {  	s3 =	sadd.s32 s3, s9;
	s6 =	sadd.s32 @!p0 $0x88, s6;
	s7 =	simm.s32 @p2 $0x1082  }
0x22: {  	[simem:s7], [sflag:s8] =	dma.local @!p0 [hbm:s6], $0xF7A  }
0x23: {  	s9 =	sor.u32 $0xD0000000, s2;
	s6 =	simm.s32 $0x108;
	_ =	swait.ge @!p0 [sflag:s8], $0x0  }
0x24: {  	s3 =	sadd.s32 $0x88, s3;
	s6 =	simm.s32 @!p1 $0x1082;
	[sflag:s4] =	ssyncset.s32 $0xFFFFF086  }
0x25: {  	[simem:s6], [sflag:s4] =	dma.local [hbm:s3], $0xF7A  }
0x26: {  	[smem:$0x3F93] =	sst s1;
	(tag) =	ssettag s2;
	_ =	strace s9  }
0x27: {  	s1 =	sld [smem:$0x3FA3]  }
0x28: {  	s2 =	sld [smem:$0x3FA4]  }
0x29: {  	s4 =	sld [smem:$0x3FA6]  }
0x2a: {  	p0 =	seq.s32 s5, $0x0;
	s5 =	sld [smem:$0x3FA7]  }
0x2b: {  	s6 =	sld [smem:$0x3FA8]  }
0x2c: {  	s7 =	sld [smem:$0x3FA9]  }
0x2d: {  	s3 =	simm.s32 $0x108;
	s8 =	sld [smem:$0x3FAA]  }
0x2e: {  	s3 =	simm.s32 @!p0 $0x1082;
	s9 =	sld [smem:$0x3FAB]  }
0x2f: {  	lr =	sadd.s32 s0, s3;
	s0 =	sld [smem:$0x3FA2]  }
0x30: {  	s3 =	sld [smem:$0x3FA5]  }
0x31: {  	[smem:$0x3FAE] =	sst s10  }
0x32: {  	s10 =	sld [smem:$0x3FAC];
	_ =	sdelay $0x3  }
0x33: {  	p0 =	seq.s32 s10, $0x1;
	s10 =	sld [smem:$0x3FAE];
	_ =	sdelay $0x3  }
0x34: {  	[smem:$0x3FAE] =	sst s10  }
0x35: {  	s10 =	sld [smem:$0x3FAD];
	_ =	sdelay $0x3  }
0x36: {  	p1 =	seq.s32 s10, $0x1;
	s10 =	sld [smem:$0x3FAE];
	_ =	sdelay $0x3  }
0x37: {  	[smem:$0x3FAE] =	sst s10  }
0x38: {  	s10 =	sld [smem:$0x3FAF]  }
0x39: {  	_ = 	snop;
	(pc) =	sbr.ind lr, $3  }
0x3a: {  	_ = 	snop  }
0x3b: {  	_ = 	snop  }
0x3c: {  	p2 =	seq.s32 s10, $0x1;
	s10 =	sld [smem:$0x3FAE]  }
0x3d: {  	_ =	shalt  }
0x3e: {  	_ =	shalt  }
0x3f: {  	_ =	shalt  }
0x40: {  	_ =	shalt  }
0x41: {  	_ =	shalt  }
0x42: {  	_ =	shalt  }
0x43: {  	_ =	shalt  }
0x44: {  	_ =	shalt  }
0x45: {  	_ =	shalt  }
0x46: {  	_ =	shalt  }
0x47: {  	_ =	shalt  }
0x48: {  	_ =	shalt  }
0x49: {  	_ =	shalt  }
0x4a: {  	_ =	shalt  }
0x4b: {  	_ =	shalt  }
0x4c: {  	_ =	shalt  }
0x4d: {  	_ =	shalt  }
0x4e: {  	_ =	shalt  }
0x4f: {  	_ =	shalt  }
0x50: {  	_ =	shalt  }
0x51: {  	_ =	shalt  }
0x52: {  	_ =	shalt  }
0x53: {  	_ =	shalt  }
0x54: {  	_ =	shalt  }
0x55: {  	_ =	shalt  }
0x56: {  	_ =	shalt  }
0x57: {  	_ =	shalt  }
0x58: {  	_ =	shalt  }
0x59: {  	_ =	shalt  }
0x5a: {  	_ =	shalt  }
0x5b: {  	_ =	shalt  }
0x5c: {  	_ =	shalt  }
0x5d: {  	_ =	shalt  }
0x5e: {  	_ =	shalt  }
0x5f: {  	_ =	shalt  }
0x60: {  	_ =	shalt  }
0x61: {  	_ =	shalt  }
0x62: {  	_ =	shalt  }
0x63: {  	_ =	shalt  }
0x64: {  	_ =	shalt  }
0x65: {  	_ =	shalt  }
0x66: {  	_ =	shalt  }
0x67: {  	_ =	shalt  }
0x68: {  	_ =	shalt  }
0x69: {  	_ =	shalt  }
0x6a: {  	_ =	shalt  }
0x6b: {  	_ =	shalt  }
0x6c: {  	_ =	shalt  }
0x6d: {  	_ =	shalt  }
0x6e: {  	_ =	shalt  }
0x6f: {  	_ =	shalt  }
0x70: {  	_ =	shalt  }
0x71: {  	_ =	shalt  }
0x72: {  	_ =	shalt  }
0x73: {  	_ =	shalt  }
0x74: {  	_ =	shalt  }
0x75: {  	_ =	shalt  }
0x76: {  	_ =	shalt  }
0x77: {  	_ =	shalt  }
0x78: {  	_ =	shalt  }
0x79: {  	_ =	shalt  }
0x7a: {  	_ =	shalt  }
0x7b: {  	_ =	shalt  }
0x7c: {  	_ =	shalt  }
0x7d: {  	_ =	shalt  }
0x7e: {  	_ =	shalt  }
0x7f: {  	_ =	shalt  }
0x80: {  	_ =	shalt  }
0x81: {  	_ =	shalt  }
0x82: {  	_ =	shalt  }
0x83: {  	_ =	shalt  }
0x84: {  	_ =	shalt  }
0x85: {  	_ =	shalt  }
0x86: {  	_ =	shalt  }
0x87: {  	_ =	shalt  }
.Lfunc_end0:
.L_simem_size_0:
called_computation_lowered:
.L_overlay_start_0:
0x88: {  	s2 =	sld [smem:$0x3FD9]  }
0x89: {  	s3 =	sld [smem:$0x3FFE];
	_ =	sdelay $0x1  }
0x8a: {  	s1 =	srdreg.scid  }
0x8b: {  	s0 =	sand.u32 $0x1, s1  }
0x8c: {  	s14 =	sshll.u32 s0, $0xA;
	s2 =	sadd.s32 s3, s2  }
0x8d: {  	s2 =	sadd.s32 s2, s14  }
0x8e: {  	[smem:$0x3FBA] =	sst s2  }
0x8f: {  	_ = 	snop  }
0x90: {  	s2 =	sld [smem:$0x3FD0];
	_ =	sdelay $0x1  }
0x91: {  	s15 =	sld [smem:$0x3FC9]  }
0x92: {  	s5 =	simm.s32 $0xA;
	s6 =	simm.s32 $0x10;
	s4 =	sld [smem:$0x3FC6]  }
0x93: {  	[smem:s6], [sflag:s5] =	dma.local [hbm:s2], $0x1  }
0x94: {  	_ =	swait.eq [sflag:s5], $0x1  }
0x95: {  	[sflag:s5] =	ssyncset.done $0x0  }
0x96: {  	s16 =	sld [smem:$0x10];
	[sflag:s5] =	ssyncadd.s32 $0xFFFFFFFF  }
0x97: {  	s17 =	sld [smem:$0x11];
	(tm) =	ssettm $0x1  }
0x98: {  	s18 =	sld [smem:$0x3FFB];
	_ =	sdelay $0x3  }
0x99: {  	_ =	strace s18  }
0x9a: {  	s6 =	sld [smem:$0x3FFC];
	_ =	sdelay $0x3  }
0x9b: {  	_ =	strace s6  }
0x9c: {  	s6 =	sld [smem:$0x3FFD];
	_ =	sdelay $0x3  }
0x9d: {  	_ =	strace s6  }
0x9e: {  	_ =	strace $0x8FFFFFFF  }
0x9f: {  	s19 =	sld [smem:$0x3FDB];
	_ =	sdelay $0x1  }
0xa0: {  	s7 =	simm.s32 $_scs_section_size  }
0xa1: {  	s8 =	simm.s32 $_size__tile_overlayer_lowered;
	s9 =	simm.s32 $_tile_overlayer_lowered  }
0xa2: {  	s22 =	simm.s32 $0x1BFF;
	s21 =	sshll.u32 s9, $0x1;
	s6 =	sadd.s32 s7, s19  }
0xa3: {  	s10 =	simm.s32 $0x0;
	s20 =	sshll.u32 s8, $0x1;
	s8 =	sadd.s32 s21, s6  }
0xa4: {  	[timem:s10], [sflag:s22] =	dma.local [hbm:s8], s20  }
0xa5: {  	_ =	swait.ge [sflag:s22], s20  }
0xa6: {  	s7 =	ssub.s32 $0x0, s20;
	[sflag:s22] =	ssyncset.done $0x0  }
0xa7: {  	[sflag:s22] =	ssyncadd.s32 s7;
	_ =	sdelay $0x1  }
0xa8: {  	s23 =	simm.s32 $0x1B8B  }
0xa9: {  	_ =	swait.ge [sflag:s23], $0x1  }
0xaa: {  	[sflag:s23] =	ssyncset.done $0x0  }
0xab: {  	s25 =	simm.s32 $0x1B8E;
	s24 =	sld [smem:$0x3FFE];
	[sflag:s23] =	ssyncadd.s32 $0xFFFFFFFF  }
0xac: {  	s26 =	simm.s32 $execute0_lowered;
	[smem:$0x3FD2] =	sst s25  }
0xad: {  	s8 =	sshll.u32 s26, $0x1;
	_ =	strace $0x80000046;
	[dreg:$0x1] =	wrdreg $0xFFFFFFFF  }
0xae: {  	s28 =	simm.s32 $_size_execute0_lowered;
	s6 =	sadd.s32 s6, s8;
	[dreg:$0x0] =	wrdreg $0x0  }
0xaf: {  	s8 =	sshll.u32 s28, $0x1;
	[dreg:$0x2] =	wrdreg s6  }
0xb0: {  	[dreg:$0x3] =	wrdreg s8  }
0xb1: {  	[dreg:$0x4] =	wrdreg $0xC0  }
0xb2: {  	_ =	task [dreg:s10], $0x5FFFF  }
0xb3: {  	[dreg:$0x1] =	wrdreg $0xFFFFFFFF  }
0xb4: {  	[dreg:$0x0] =	wrdreg $0x60  }
0xb5: {  	[dreg:$0x2] =	wrdreg s15  }
0xb6: {  	[dreg:$0x3] =	wrdreg s4  }
0xb7: {  	[dreg:$0x4] =	wrdreg s17  }
0xb8: {  	[dreg:$0x5] =	wrdreg s24  }
0xb9: {  	[dreg:$0x6] =	wrdreg s16  }
0xba: {  	[dreg:$0x7] =	wrdreg $0x0  }
0xbb: {  	[dreg:$0x8] =	wrdreg $0x9  }
0xbc: {  	_ =	task.clear_ibuf [dreg:s10], $0x9FFFF;
	_ =	strace $0x90000046  }
0xbd: {  	s29 =	simm.s32 $0x9;
	_ =	strace $0x80000048  }
0xbe: {  	_ =	swait.ge [sflag:s29], $0x1  }
0xbf: {  	[sflag:s29] =	ssyncadd.s32 $0xFFFFFFFF  }
0xc0: {  	_ =	strace $0x90000048  }
0xc1: {  	_ =	sfence  }
0xc2: {  	s30 =	sld [smem:$0x0];
	_ =	sdelay $0x2  }
0xc3: {  	s31 =	sshll.u32 s1, $0xD;
	s1 =	sshrl.u32 s1, $0x2  }
0xc4: {  	s3 =	sand.u32 $0x4000, s31;
	s1 =	sadd.s32 s1, s30  }
0xc5: {  	s0 =	sor.u32 s3, s0;
	s1 =	sshll.u32 s1, $0x11  }
0xc6: {  	s0 =	sor.u32 s1, s0  }
0xc7: {  	s0 =	sadd.s32 $0x8F2B, s0  }
0xc8: {  	[sflag:s0] =	ssyncadd.remote.s32 $0x1  }
0xc9: {  	_ =	sfence.sel $0xFFFF  }
0xca: {  	[dreg:$0x0] =	wrdreg $0xFFFFFFFF;
	(pc) =	sbr.abs _section_cstart, $3  }
0xcb: {  	[dreg:$0x1] =	wrdreg $0xFFFFFFFF  }
0xcc: {  	_ =	task.clear_ibuf [dreg:s10], $0x2FFFF;
	_ =	strace $0x9FFFFFFF  }
0xcd: {  	(tm) =	ssettm $0x7FFFFFFF  }
tec
execute0_lowered:
.L_overlay_start_1:
0x0: {  	(tag) =	ssettag $0x1  }
0x1: {  	s0 =	rddreg [dreg:$0x0]  }
0x2: {  	s1 =	rddreg [dreg:$0x1]  }
0x3: {  	s3 =	rddreg [dreg:$0x3]  }
0x4: {  	s5 =	rddreg [dreg:$0x4]  }
0x5: {  	s2 =	rddreg [dreg:$0x5];
	s6 =	srdreg.scid  }
0x6: {  	s4 =	simm.s32 $0x0;
	s16 =	stileid.u32;
	s28 =	simm.s32 $0x2  }
0x7: {  	s29 =	simm.s32 $0x4;
	s30 =	simm.s32 $0x1BA00;
	s9 =	smul.u32 $0x4E000, s16  }
0x8: {  	s31 =	simm.s32 $0x7;
	s8 =	sand.u32 $0x1, s6;
	s18 =	smul.u32 $0x13800, s16  }
0x9: {  	[smem:$0x7FF] =	sst s4;
	s3 =	sadd.s32 $0x2800, s3;
	s21 =	smul.u32 $0x4E, s16  }
0xa: {  	s13 =	sshll.u32 s16, $0x6;
	s6 =	ssub.s32 $0x2, s8;
	s17 =	smul.u32 $0x138800, s8  }
0xb: {  	_ =	strace $0x80000047;
	s11 =	sshll.u32 s8, $0x4;
	s8 =	smul.u32 $0x4E0, s8  }
0xc: {  	s7 =	sshrl.u32 s6, $0x1;
	s11 =	sor.u32 s16, s11;
	s12 =	sshrl.u32 s9, $0x2  }
0xd: {  	s10 =	ssub.s32 s6, s7;
	s6 =	sadd.s32 s12, s2;
	s14 =	smul.u32 $0x4E, s11  }
0xe: {  	p0 =	slt.u32 s11, $0x4;
	s7 =	simm.s32 $0x4F;
	s11 =	smin.u32 s11, $0x4  }
0xf: {  	s12 =	sadd.s32 $0x138000, s2;
	[dreg:$0x9] =	wrdreg s6;
	s6 =	sor.u32 $0x1C09, s13  }
0x10: {  	[dreg:$0xa] =	wrdreg s12;
	s7 =	simm.s32 @!p0 $0x4E;
	s10 =	smax.u32 s10, $0x1  }
0x11: {  	s9 =	sadd.s32 s11, s14;
	s14 =	simm.s32 $0x2700;
	s20 =	sand.u32 $0x1, s7  }
0x12: {  	[dreg:$0x10] =	wrdreg s10;
	s15 =	sshll.u32 s9, $0x7;
	s13 =	sshll.u32 s9, $0xB  }
0x13: {  	s14 =	simm.s32 @!p0 $0x2680;
	s9 =	sshll.u32 s9, $0x5;
	p0 =	sne.s32 s16, $0xF  }
0x14: {  	p1 =	seq.s32 s20, $0x0;
	s13 =	sadd.s32 s0, s13;
	s12 =	sadd.s32 s14, s15  }
0x15: {  	s9 =	sadd.s32 s1, s9;
	s14 =	sadd.s32 s18, s17;
	[dreg:$0xb] =	wrdreg s13  }
0x16: {  	s15 =	sor.u32 s8, s11;
	s8 =	sadd.s32 s21, s8;
	[dreg:$0xc] =	wrdreg s9  }
0x17: {  	s19 =	sshll.u32 s12, $0x4;
	s13 =	sshrl.u32 s17, $0x3;
	s14 =	sshrl.u32 s14, $0x3  }
0x18: {  	s15 =	sadd.s32 s21, s15;
	s26 =	sadd.s32 s11, s8;
	s21 =	simm.s32 $0x17880  }
0x19: {  	s9 =	sadd.s32 s5, s19;
	s13 =	sadd.s32 s3, s13;
	s3 =	sadd.s32 s3, s14  }
0x1a: {  	s23 =	sshll.u32 s15, $0xB;
	s24 =	sshll.u32 s15, $0x5;
	[dreg:$0xd] =	wrdreg s9  }
0x1b: {  	s8 =	sshll.u32 s26, $0x5;
	s19 =	simm.s32 $0x13880;
	[dreg:$0xe] =	wrdreg s3  }
0x1c: {  	s22 =	sadd.s32 $0x27000, s13;
	s5 =	sadd.s32 s23, s5;
	s25 =	sadd.s32 s24, s1  }
0x1d: {  	s3 =	sadd.s32 s23, s0;
	s1 =	sadd.s32 s8, s1;
	s9 =	simm.s32 $0x9  }
0x1e: {  	s23 =	simm.s32 $0x1;
	s24 =	simm.s32 $0x3;
	[dreg:$0xf] =	wrdreg s22  }
0x1f: {  	[dreg:$0x7] =	wrdreg s5;
	s5 =	sadd.s32 $0x20, s25;
	s3 =	sadd.s32 $0x800, s3  }
0x20: {  	s1 =	sadd.s32 $0x40, s1;
	s22 =	simm.s32 $0x1B980;
	[dreg:$0x11] =	wrdreg s5  }
0x21: {  	s25 =	simm.s32 $0x80;
	s5 =	sshll.u32 s26, $0xB;
	[dreg:$0x8] =	wrdreg s3  }
0x22: {  	[dreg:$0x12] =	wrdreg s1;
	s26 =	simm.s32 $0x1B900;
	s0 =	sadd.s32 s5, s0  }
0x23: {  	s1 =	simm.s32 $0x0;
	s17 =	sadd.s32 $0x1000, s0;
	s0 =	simm.s32 $0x5  }
.LBB2_1:
0x24: {  	s3 =	rddreg [dreg:$0x9]  }
0x25: {  	s5 =	sshrl.u32 s3, $0x3;
	s3 =	rddreg [dreg:$0x2]  }
0x26: {  	[spmem:s5], [sflag:s6] =	dma.local [hbm:s3], $0x2700  }
0x27: {  	_ =	swait.ge [sflag:s9], $0x2700  }
0x28: {  	[sflag:s9] =	ssyncset.done $0x0;
	s8 =	rddreg [dreg:$0xa]  }
0x29: {  	[sflag:s9] =	ssyncadd.s32 $0xFFFFD900;
	s8 =	sshrl.u32 @!p0 s8, $0x3  }
0x2a: {  	[spmem:s8], [sflag:s6] =	dma.local @!p0 [hbm:s3], $0x100  }
0x2b: {  	s3 =	simm.s32 @!p0 $0x9  }
0x2c: {  	_ =	swait.ge @!p0 [sflag:s3], $0x100  }
0x2d: {  	[sflag:s3] =	ssyncset.done @!p0 $0x0  }
0x2e: {  	s14 =	rddreg [dreg:$0xb];
	[sflag:s3] =	ssyncadd.s32 @!p0 $0xFFFFFF00  }
0x2f: {  	[tilespmem:s19], [sflag:$0x1] =	stream.linear.gather [hbm4b:s14+s4], $0x4000, $0x38;
	[tilespmem:$0x1BA80] =	vst v63  }
0x30: {  	s16 =	simm.s32 $0x1B880;
	p2 =	por $0x1, $0x1;
	s15 =	rddreg [dreg:$0xc]  }
0x31: {  	[tilespmem:s16], [sflag:$0x3] =	stream.linear.gather [hbm4b:s15+s4], $0x100, $0x38;
	[tilespmem:$0x1BA80] =	vst v63  }
0x32: {  	s3 =	simm.s32 @!p2 $0x8;
	[bflag:$0x0] =	sbarrier.arrive $0xFFFF  }
0x33: {  	_ =	swait.ge @!p2 [sflag:s3], $0x4000  }
0x34: {  	[sflag:s3] =	ssyncset.done @!p2 $0x0  }
0x35: {  	s9 =	simm.s32 @!p2 $0x6;
	[sflag:s3] =	ssyncadd.s32 @!p2 $0xFFFFC000  }
0x36: {  	_ =	swait.ge @!p2 [sflag:s9], $0x4000  }
0x37: {  	s18 =	rddreg [dreg:$0x8];
	[sflag:s9] =	ssyncset.done @!p2 $0x0  }
0x38: {  	[sflag:s9] =	ssyncadd.s32 @!p2 $0xFFFFC000;
	s3 =	sadd.s32 $0x0, s18  }
0x39: {  	[tilespmem:s21], [sflag:$0x2] =	stream.linear.gather [hbm4b:s3+s4], $0x4000, $0x38;
	[tilespmem:$0x1BA80] =	vst v63  }
0x3a: {  	s15 =	rddreg [dreg:$0x11]  }
0x3b: {  	[tilespmem:s22], [sflag:$0x4] =	stream.linear.gather [hbm4b:s15+s4], $0x100, $0x38;
	[tilespmem:$0x1BA80] =	vst v63  }
0x3c: {  	_ =	swait.ge [sflag:s23], $0x4000  }
0x3d: {  	[sflag:s23] =	ssyncset.done $0x0  }
0x3e: {  	[sflag:s23] =	ssyncadd.s32 $0xFFFFC000  }
0x3f: {  	_ =	swait.ge [sflag:s24], $0x100  }
0x40: {  	[sflag:s24] =	ssyncset.done $0x0  }
0x41: {  	s20 =	rddreg [dreg:$0x7];
	[sflag:s24] =	ssyncadd.s32 $0xFFFFFF00  }
0x42: {  	[spmem:s2] =	stream.indirect.scatter.add.f32 [tilespmem:s19], [sflag:$0x7], $0x80, s26, s25, $0xb8;
	[tilespmem:$0x1BA80] =	vst v63  }
0x43: {  	s3 =	sadd.s32 $0x0, s20  }
0x44: {  	[hbm4b:s3+s4] =	stream.linear.scatter [tilespmem:s19], [sflag:$0x5], $0x4000, $0x38;
	[tilespmem:$0x1BA80] =	vst v63  }
0x45: {  	_ =	swait.ge [sflag:s28], $0x4000  }
0x46: {  	[sflag:s28] =	ssyncset.done $0x0  }
0x47: {  	[sflag:s28] =	ssyncadd.s32 $0xFFFFC000  }
0x48: {  	_ =	swait.ge [sflag:s29], $0x100  }
0x49: {  	[sflag:s29] =	ssyncset.done $0x0  }
0x4a: {  	[sflag:s29] =	ssyncadd.s32 $0xFFFFFF00  }
0x4b: {  	[spmem:s2] =	stream.indirect.scatter.add.f32 [tilespmem:s21], [sflag:$0x8], $0x80, s30, s25, $0xb8;
	[tilespmem:$0x1BA80] =	vst v63  }
0x4c: {  	s3 =	sadd.s32 $0x800, s3  }
0x4d: {  	[hbm4b:s3+s4] =	stream.linear.scatter [tilespmem:s21], [sflag:$0x6], $0x4000, $0x38;
	[tilespmem:$0x1BA80] =	vst v63  }
0x4e: {  	s10 =	simm.s32 $0x1000;
	s13 =	simm.s32 $0x2000;
	_ =	swait.ge [sflag:s31], $0x4000  }
0x4f: {  	s11 =	simm.s32 $0x4;
	p4 =	sle.u32 s7, $0x2;
	[sflag:s31] =	ssyncset.done $0x0  }
0x50: {  	p3 =	por $0x0, $0x0;
	s12 =	simm.s32 @!p4 $0x0;
	[sflag:s31] =	ssyncadd.s32 $0xFFFFC000  }
0x51: {  	s14 =	sadd.s32 @!p4 $0x0, s17;
	s16 =	rddreg [dreg:$0x12];
	_ =	swait.ge [sflag:s0], $0x4000  }
0x52: {  	s18 =	simm.s32 @!p4 $0x13880;
	s9 =	sadd.s32 $0x40, s16;
	[sflag:s0] =	ssyncset.done $0x0  }
.LBB2_2:
0x53: {  	[sflag:s0] =	ssyncadd.s32 $0xFFFFC000  }
0x54: {  	[tilespmem:s18], [sflag:$0x1] =	stream.linear.gather @!p4 [hbm4b:s14+s12], $0x4000, $0x38;
	[tilespmem:$0x1BA80] =	vst v63  }
0x55: {  	s14 =	simm.s32 @!p3 $0x8;
	s18 =	simm.s32 @!p4 $0x1B880  }
0x56: {  	[tilespmem:s18], [sflag:$0x3] =	stream.linear.gather @!p4 [hbm4b:s16+s12], $0x100, $0x38;
	[tilespmem:$0x1BA80] =	vst v63  }
0x57: {  	_ =	swait.ge @!p3 [sflag:s14], $0x4000  }
0x58: {  	[sflag:s14] =	ssyncset.done @!p3 $0x0  }
0x59: {  	s12 =	simm.s32 @!p3 $0x6;
	[sflag:s14] =	ssyncadd.s32 @!p3 $0xFFFFC000  }
0x5a: {  	_ =	swait.ge @!p3 [sflag:s12], $0x4000  }
0x5b: {  	s3 =	smov.u32 s10;
	[sflag:s12] =	ssyncset.done @!p3 $0x0;
	s18 =	rddreg [dreg:$0x8]  }
0x5c: {  	[sflag:s12] =	ssyncadd.s32 @!p3 $0xFFFFC000;
	s14 =	sadd.s32 s3, s18  }
0x5d: {  	[tilespmem:s21], [sflag:$0x2] =	stream.linear.gather [hbm4b:s14+s4], $0x4000, $0x38;
	[tilespmem:$0x1BA80] =	vst v63  }
0x5e: {  	s15 =	sadd.s32 $0x40, s15  }
0x5f: {  	[tilespmem:s22], [sflag:$0x4] =	stream.linear.gather [hbm4b:s15+s4], $0x100, $0x38;
	[tilespmem:$0x1BA80] =	vst v63  }
0x60: {  	_ =	swait.ge [sflag:s23], $0x4000  }
0x61: {  	[sflag:s23] =	ssyncset.done $0x0  }
0x62: {  	[sflag:s23] =	ssyncadd.s32 $0xFFFFC000  }
0x63: {  	_ =	swait.ge [sflag:s24], $0x100  }
0x64: {  	[sflag:s24] =	ssyncset.done $0x0  }
0x65: {  	s18 =	rddreg [dreg:$0x7];
	[sflag:s24] =	ssyncadd.s32 $0xFFFFFF00  }
0x66: {  	[spmem:s2] =	stream.indirect.scatter.add.f32 [tilespmem:s19], [sflag:$0x7], $0x80, s26, s25, $0xb8;
	[tilespmem:$0x1BA80] =	vst v63  }
0x67: {  	s12 =	sadd.s32 s3, s18  }
0x68: {  	[hbm4b:s12+s4] =	stream.linear.scatter [tilespmem:s19], [sflag:$0x5], $0x4000, $0x38;
	[tilespmem:$0x1BA80] =	vst v63  }
0x69: {  	_ =	swait.ge [sflag:s28], $0x4000  }
0x6a: {  	[sflag:s28] =	ssyncset.done $0x0  }
0x6b: {  	[sflag:s28] =	ssyncadd.s32 $0xFFFFC000  }
0x6c: {  	_ =	swait.ge [sflag:s29], $0x100  }
0x6d: {  	[sflag:s29] =	ssyncset.done $0x0  }
0x6e: {  	s10 =	smov.u32 s13;
	s13 =	sadd.s32 $0x1000, s13;
	[sflag:s29] =	ssyncadd.s32 $0xFFFFFF00  }
0x6f: {  	[spmem:s2] =	stream.indirect.scatter.add.f32 [tilespmem:s21], [sflag:$0x8], $0x80, s30, s25, $0xb8;
	[tilespmem:$0x1BA80] =	vst v63  }
0x70: {  	p2 =	sne.s32 s13, $0x27000;
	s12 =	sadd.s32 $0x800, s12  }
0x71: {  	[hbm4b:s12+s4] =	stream.linear.scatter [tilespmem:s21], [sflag:$0x6], $0x4000, $0x38;
	[tilespmem:$0x1BA80] =	vst v63  }
.Ltmp0:
0x72: {  	s20 =	smov.u32 s11;
	_ =	swait.ge [sflag:s31], $0x4000;
	(pc) =	sbr.rel @p2 .LBB2_2-.Ltmp0, $4  }
0x73: {  	s11 =	sadd.s32 $0x2, s11;
	s16 =	smov.u32 s9;
	[sflag:s31] =	ssyncset.done $0x0  }
0x74: {  	p4 =	sge.u32 s20, s7;
	s9 =	sadd.s32 $0x40, s9;
	[sflag:s31] =	ssyncadd.s32 $0xFFFFC000  }
0x75: {  	p3 =	seq.s32 s10, $0x0;
	s14 =	sadd.s32 @!p4 s3, s17;
	_ =	swait.ge [sflag:s0], $0x4000  }
0x76: {  	s18 =	simm.s32 @!p4 $0x13880;
	s12 =	simm.s32 @!p4 $0x0;
	[sflag:s0] =	ssyncset.done $0x0  }
0x77: {  	[sflag:s0] =	ssyncadd.s32 $0xFFFFC000  }
0x78: {  	[tilespmem:s18], [sflag:$0x1] =	stream.linear.gather @!p4 [hbm4b:s14+s12], $0x4000, $0x38;
	[tilespmem:$0x1BA80] =	vst v63  }
0x79: {  	s3 =	simm.s32 @!p4 $0x1B880  }
0x7a: {  	[tilespmem:s3], [sflag:$0x3] =	stream.linear.gather @!p4 [hbm4b:s16+s12], $0x100, $0x38;
	[tilespmem:$0x1BA80] =	vst v63  }
0x7b: {  	s3 =	simm.s32 @!p3 $0x8  }
0x7c: {  	_ =	swait.ge @!p3 [sflag:s3], $0x4000  }
0x7d: {  	[sflag:s3] =	ssyncset.done @!p3 $0x0  }
0x7e: {  	s12 =	simm.s32 @!p3 $0x6;
	[sflag:s3] =	ssyncadd.s32 @!p3 $0xFFFFC000  }
0x7f: {  	_ =	swait.ge @!p3 [sflag:s12], $0x4000  }
0x80: {  	s20 =	rddreg [dreg:$0x8];
	[sflag:s12] =	ssyncset.done @!p3 $0x0  }
0x81: {  	[sflag:s12] =	ssyncadd.s32 @!p3 $0xFFFFC000;
	s3 =	sadd.s32 s10, s20  }
0x82: {  	[tilespmem:s21], [sflag:$0x2] =	stream.linear.gather [hbm4b:s3+s4], $0x4000, $0x38;
	[tilespmem:$0x1BA80] =	vst v63  }
0x83: {  	s13 =	sadd.s32 $0x40, s15  }
0x84: {  	[tilespmem:s22], [sflag:$0x4] =	stream.linear.gather [hbm4b:s13+s4], $0x100, $0x38;
	[tilespmem:$0x1BA80] =	vst v63  }
0x85: {  	_ =	swait.ge [sflag:s23], $0x4000  }
0x86: {  	[sflag:s23] =	ssyncset.done $0x0  }
0x87: {  	[sflag:s23] =	ssyncadd.s32 $0xFFFFC000  }
0x88: {  	_ =	swait.ge [sflag:s24], $0x100  }
0x89: {  	[sflag:s24] =	ssyncset.done $0x0  }
0x8a: {  	s14 =	rddreg [dreg:$0x7];
	[sflag:s24] =	ssyncadd.s32 $0xFFFFFF00  }
0x8b: {  	[spmem:s2] =	stream.indirect.scatter.add.f32 [tilespmem:s19], [sflag:$0x7], $0x80, s26, s25, $0xb8;
	[tilespmem:$0x1BA80] =	vst v63  }
0x8c: {  	s3 =	sadd.s32 s10, s14  }
0x8d: {  	[hbm4b:s3+s4] =	stream.linear.scatter [tilespmem:s19], [sflag:$0x5], $0x4000, $0x38;
	[tilespmem:$0x1BA80] =	vst v63  }
0x8e: {  	_ =	swait.ge [sflag:s28], $0x4000  }
0x8f: {  	[sflag:s28] =	ssyncset.done $0x0  }
0x90: {  	[sflag:s28] =	ssyncadd.s32 $0xFFFFC000  }
0x91: {  	_ =	swait.ge [sflag:s29], $0x100  }
0x92: {  	[sflag:s29] =	ssyncset.done $0x0  }
0x93: {  	[sflag:s29] =	ssyncadd.s32 $0xFFFFFF00  }
0x94: {  	[spmem:s2] =	stream.indirect.scatter.add.f32 [tilespmem:s21], [sflag:$0x8], $0x80, s30, s25, $0xb8;
	[tilespmem:$0x1BA80] =	vst v63  }
0x95: {  	s3 =	sadd.s32 $0x800, s3  }
0x96: {  	[hbm4b:s3+s4] =	stream.linear.scatter [tilespmem:s21], [sflag:$0x6], $0x4000, $0x38;
	[tilespmem:$0x1BA80] =	vst v63  }
0x97: {  	_ =	swait.ge [sflag:s31], $0x4000  }
0x98: {  	[sflag:s31] =	ssyncset.done $0x0  }
0x99: {  	[sflag:s31] =	ssyncadd.s32 $0xFFFFC000  }
0x9a: {  	p2 =	sge.u32 s11, s7;
	_ =	swait.ge [sflag:s0], $0x4000  }
0x9b: {  	s11 =	simm.s32 @!p2 $0x13880;
	[sflag:s0] =	ssyncset.done $0x0  }
0x9c: {  	s3 =	sadd.s32 @!p2 s10, s17;
	s10 =	simm.s32 @!p2 $0x0;
	[sflag:s0] =	ssyncadd.s32 $0xFFFFC000  }
0x9d: {  	[tilespmem:s11], [sflag:$0x1] =	stream.linear.gather @!p2 [hbm4b:s3+s10], $0x4000, $0x38;
	[tilespmem:$0x1BA80] =	vst v63  }
0x9e: {  	s15 =	simm.s32 $0x8;
	s3 =	simm.s32 @!p2 $0x1B880  }
0x9f: {  	[tilespmem:s3], [sflag:$0x3] =	stream.linear.gather @!p2 [hbm4b:s9+s10], $0x100, $0x38;
	[tilespmem:$0x1BA80] =	vst v63  }
0xa0: {  	_ =	swait.ge [sflag:s15], $0x4000  }
0xa1: {  	[sflag:s15] =	ssyncset.done $0x0  }
0xa2: {  	s16 =	simm.s32 $0x6;
	[sflag:s15] =	ssyncadd.s32 $0xFFFFC000  }
0xa3: {  	_ =	swait.ge [sflag:s16], $0x4000  }
0xa4: {  	[sflag:s16] =	ssyncset.done $0x0  }
0xa5: {  	s3 =	simm.s32 @!p1 $0x1;
	[sflag:s16] =	ssyncadd.s32 $0xFFFFC000  }
0xa6: {  	_ =	swait.ge @!p1 [sflag:s3], $0x4000  }
0xa7: {  	[sflag:s3] =	ssyncset.done @!p1 $0x0  }
0xa8: {  	[sflag:s3] =	ssyncadd.s32 @!p1 $0xFFFFC000;
	s3 =	simm.s32 @!p1 $0x3  }
0xa9: {  	_ =	swait.ge @!p1 [sflag:s3], $0x100  }
0xaa: {  	s9 =	simm.s32 @!p1 $0x1B900;
	[sflag:s3] =	ssyncset.done @!p1 $0x0  }
0xab: {  	s10 =	simm.s32 @!p1 $0x13880;
	[sflag:s3] =	ssyncadd.s32 @!p1 $0xFFFFFF00;
	s3 =	simm.s32 @!p1 $0x80  }
0xac: {  	[spmem:s2] =	stream.indirect.scatter.add.f32 @!p1 [tilespmem:s10], [sflag:$0x7], $0x80, s9, s3, $0xb8;
	[tilespmem:$0x1BA80] =	vst v63  }
0xad: {  	s3 =	simm.s32 @!p1 $0x0;
	s9 =	rddreg [dreg:$0xd]  }
0xae: {  	[hbm4b:s9+s3] =	stream.linear.scatter @!p1 [tilespmem:s10], [sflag:$0x5], $0x4000, $0x38;
	[tilespmem:$0x1BA80] =	vst v63  }
0xaf: {  	s3 =	simm.s32 @!p1 $0x7  }
0xb0: {  	_ =	swait.ge @!p1 [sflag:s3], $0x4000  }
0xb1: {  	[sflag:s3] =	ssyncset.done @!p1 $0x0  }
0xb2: {  	[sflag:s3] =	ssyncadd.s32 @!p1 $0xFFFFC000;
	s3 =	simm.s32 @!p1 $0x5  }
0xb3: {  	_ =	swait.ge @!p1 [sflag:s3], $0x4000  }
0xb4: {  	[sflag:s3] =	ssyncset.done @!p1 $0x0  }
0xb5: {  	[sflag:s3] =	ssyncadd.s32 @!p1 $0xFFFFC000  }
0xb6: {  	[bflag:$0x0] =	sbarrier.arrive $0xFFFF  }
0xb7: {  	s9 =	simm.s32 $0x9;
	s18 =	rddreg [dreg:$0xe]  }
0xb8: {  	[hbm:s18], [sflag:s6] =	dma.local [spmem:s5], $0x2700  }
0xb9: {  	_ =	swait.ge [sflag:s9], $0x2700  }
0xba: {  	[sflag:s9] =	ssyncset.done $0x0  }
0xbb: {  	s3 =	rddreg [dreg:$0xf];
	[sflag:s9] =	ssyncadd.s32 $0xFFFFD900  }
0xbc: {  	[hbm:s3], [sflag:s6] =	dma.local @!p0 [spmem:s8], $0x100  }
0xbd: {  	s3 =	simm.s32 @!p0 $0x9  }
0xbe: {  	_ =	swait.ge @!p0 [sflag:s3], $0x100  }
0xbf: {  	s1 =	sadd.s32 $0x1, s1;
	s20 =	rddreg [dreg:$0x10]  }
0xc0: {  	p2 =	sne.s32 s1, s20  }
.Ltmp1:
0xc1: {  	_ = 	snop;
	(pc) =	sbr.rel @p2 .LBB2_1-.Ltmp1, $3  }
0xc2: {  	_ =	sdelay $0x1  }
0xc3: {  	[sflag:s3] =	ssyncset.done @!p0 $0x0  }
0xc4: {  	[sflag:s3] =	ssyncadd.s32 @!p0 $0xFFFFFF00  }
0xc5: {  	_ =	sfence.sel $0x180000  }
0xc6: {  	[bflag:$0x0] =	sbarrier.arrive $0xFFFF  }
0xc7: {  	_ =	strace $0x90000047  }
0xc8: {  	s0 =	stileid.u32;
	[bflag:$0x2] =	sbarrier.arrive $0xFFFF  }
0xc9: {  	p0 =	sne.s32 s0, $0x0;
	s0 =	rddreg [dreg:$0x6]  }
0xca: {  	s0 =	sadd.s32 @!p0 $0x100000, s0  }
0xcb: {  	[sflag:s0] =	ssyncadd.tile.s32 @!p0 $0x1;
	_ =	shalt  }
.Lfunc_end2:
_tile_overlayer_lowered:
.L_overlay_start_2:
0xcc: {  	(tag) =	ssettag $0x2  }
0xcd: {  	s0 =	rddreg [dreg:$0x0];
	s2 =	stileid.u32  }
0xce: {  	s1 =	rddreg [dreg:$0x1];
	p0 =	sne.s32 s2, $0x0  }
0xcf: {  	s3 =	rddreg [dreg:$0x2];
	[bflag:$0x3] =	sbarrier.arrive $0xFFFF;
	s2 =	simm.s32 @!p0 $0x1C09  }
0xd0: {  	[timem:s3], [sflag:s2] =	dma.local @!p0 [hbm:s0], s1  }
0xd1: {  	s0 =	simm.s32 @!p0 $0x9  }
0xd2: {  	_ =	swait.ge @!p0 [sflag:s0], s1  }
0xd3: {  	s1 =	ssub.s32 @!p0 $0x0, s1;
	[sflag:s0] =	ssyncset.done @!p0 $0x0  }
0xd4: {  	[sflag:s0] =	ssyncadd.s32 @!p0 s1  }
0xd5: {  	[bflag:$0x3] =	sbarrier.arrive $0xFFFF  }
0xd6: {  	_ =	shalt  }

</sc_bundles>
